<compile_context>
chip_gen: v7x
topology: tpu7x:2x2x1
jax: 0.10.2.dev20260603
libtpu: 0.0.44.dev20260713+nightly
codegen_flags: <defaults>
</compile_context>

<pallas_src>
import functools

import jax
import jax.numpy as jnp
from jax import lax
from jax.experimental import pallas as pl
from jax.experimental.pallas import tpu as pltpu
from jax.experimental.pallas import tpu_sc as plsc

EMBED_DIM = 1024
NUM_CORES = 2
NUM_SUBCORES = 16
NUM_WORKERS = NUM_CORES * NUM_SUBCORES
CHUNK = 32
NBUF = 3


def _make_gather(total_rows: int):
    rows_per_worker = total_rows // NUM_WORKERS
    num_chunks = rows_per_worker // CHUNK

    mesh = plsc.VectorSubcoreMesh(core_axis_name="c", subcore_axis_name="s")

    scratch = [pltpu.VMEM((rows_per_worker,), jnp.int32)]
    scratch += [pltpu.VMEM((CHUNK, EMBED_DIM), jnp.float32)] * NBUF
    scratch += [pltpu.SemaphoreType.DMA] * (2 * NBUF)

    @functools.partial(
        pl.kernel,
        out_type=jax.ShapeDtypeStruct((total_rows, EMBED_DIM), jnp.float32),
        mesh=mesh,
        scratch_types=scratch,
    )
    def gather_kernel(table, idx_hbm, out, idx_v, *rest):
        bufs = rest[:NBUF]
        gsems = rest[NBUF:2 * NBUF]
        osems = rest[2 * NBUF:]
        wid = lax.axis_index("s") * NUM_CORES + lax.axis_index("c")
        base = wid * rows_per_worker
        pltpu.sync_copy(idx_hbm.at[pl.ds(base, CHUNK)], idx_v.at[pl.ds(0, CHUNK)])

        gdesc = [None] * NBUF
        odesc = [None] * NBUF

        gdesc[0] = pltpu.async_copy(
            table.at[idx_v.at[pl.ds(0, CHUNK)]], bufs[0], gsems[0])
        pltpu.sync_copy(
            idx_hbm.at[pl.ds(base + CHUNK, rows_per_worker - CHUNK)],
            idx_v.at[pl.ds(CHUNK, rows_per_worker - CHUNK)])
        for n in range(1, min(NBUF - 1, num_chunks)):
            s = n % NBUF
            gdesc[s] = pltpu.async_copy(
                table.at[idx_v.at[pl.ds(n * CHUNK, CHUNK)]], bufs[s], gsems[s])

        for c in range(num_chunks):
            n = c + NBUF - 1
            if n < num_chunks:
                sn = n % NBUF
                if odesc[sn] is not None:
                    odesc[sn].wait()
                gdesc[sn] = pltpu.async_copy(
                    table.at[idx_v.at[pl.ds(n * CHUNK, CHUNK)]],
                    bufs[sn], gsems[sn])
            s = c % NBUF
            gdesc[s].wait()
            odesc[s] = pltpu.async_copy(
                bufs[s], out.at[pl.ds(base + c * CHUNK, CHUNK)], osems[s])
        for d in odesc:
            if d is not None:
                d.wait()

    return gather_kernel


def kernel(input_ids, embedding):
    batch, seq = input_ids.shape
    total_rows = batch * seq
    ids = input_ids.reshape(-1).astype(jnp.int32)
    out = _make_gather(total_rows)(embedding, ids)
    return out.reshape(batch, seq, EMBED_DIM)

# --- scband reference (transcript-rebuilt; emitter-appended) ---
"""Pipeline reference for scband-mox-emodel-38860864094284 (READ-ONLY COPY).

The authoritative reference and input builder live on the scoring server;
editing this copy changes nothing except your own understanding.
"""

import jax, jax.numpy as jnp
import numpy as np

VOCAB = 100000
EMBED_DIM = 1024
BATCH = 4
SEQ = 4096

def setup_inputs(seed: int = 0) -> dict:
    key = jax.random.key(seed)
    k_ids, k_emb = jax.random.split(key)
    input_ids = jax.random.randint(k_ids, (BATCH, SEQ), 0, VOCAB, dtype=jnp.int64 if jax.config.read('jax_enable_x64') else jnp.int32)
    # variance_scaling(1.0, 'fan_in', 'normal', out_axis=0): fan_in = embedding_dim
    std = 1.0 / np.sqrt(EMBED_DIM)
    embedding = jax.random.normal(k_emb, (VOCAB, EMBED_DIM), dtype=jnp.float32) * std
    return {"input_ids": input_ids, "embedding": embedding}

def reference(input_ids, embedding):
    # MoxEModel.__call__ core: h_t = self.token_embedding(input_ids)
    # nnx.Embed lookup == row gather from the embedding table.
    h_t = jnp.take(embedding, input_ids, axis=0)
    # embedding_dropout is identity (add_embedding_dropout=False -> jax.nn.identity).
    # MoE layer stack modeled as identity pass-through (layer internals are
    # external to this embedding_lookup benchmark); return hidden_states.
    return h_t

if __name__ == "__main__":
    import jax
    _d = setup_inputs()
    print(jax.jit(kernel)(*tuple(_d.values())))

</pallas_src>

<mosaic_0001>
#map = affine_map<(d0, d1) -> (0, 0)>
#map1 = affine_map<(d0, d1) -> (0)>
module attributes {stable_mosaic.version = 14 : i64} {
  func.func @gather_kernel(%arg0: i32, %arg1: i32, %arg2: memref<100000x1024xf32, #tpu.memory_space<hbm>>, %arg3: memref<16384xi32, #tpu.memory_space<hbm>>, %arg4: memref<16384x1024xf32, #tpu.memory_space<hbm>>, %arg5: memref<512xi32, #tpu.memory_space<vmem>>, %arg6: memref<32x1024xf32, #tpu.memory_space<vmem>>, %arg7: memref<32x1024xf32, #tpu.memory_space<vmem>>, %arg8: memref<32x1024xf32, #tpu.memory_space<vmem>>, %arg9: memref<!tpu.dma_semaphore, #tpu.memory_space<semaphore_mem>>, %arg10: memref<!tpu.dma_semaphore, #tpu.memory_space<semaphore_mem>>, %arg11: memref<!tpu.dma_semaphore, #tpu.memory_space<semaphore_mem>>, %arg12: memref<!tpu.dma_semaphore, #tpu.memory_space<semaphore_mem>>, %arg13: memref<!tpu.dma_semaphore, #tpu.memory_space<semaphore_mem>>, %arg14: memref<!tpu.dma_semaphore, #tpu.memory_space<semaphore_mem>>) attributes {dimension_semantics = [#tpu.dimension_semantics<core_parallel>, #tpu.dimension_semantics<subcore_parallel>], iteration_bounds = array<i64: 2, 16>, scalar_prefetch = 0 : i64, scratch_operands = 10 : i64, tpu.core_type = #tpu.core_type<sc_vector_subcore>, window_params = [{transform_indices = #map}, {transform_indices = #map1}, {transform_indices = #map}]} {
    %mul3A = arith.constant 2 : i32
    %mul3A_0 = arith.muli %arg1, %mul3A : i32
    %add3A = arith.addi %mul3A_0, %arg0 : i32
    %mul3A_1 = arith.constant 512 : i32
    %mul3A_2 = arith.muli %add3A, %mul3A_1 : i32
    "tpu.region"() ({
      %run_scoped3A = tpu.sem_alloc : memref<!tpu.dma_semaphore, #tpu.memory_space<semaphore_mem>>
      %dma_start3A_323 = arith.constant 0 : i32
      %dma_start3A_324 = tpu.memref_slice %arg5[%dma_start3A_323] : memref<512xi32, #tpu.memory_space<vmem>> -> memref<32xi32, #tpu.memory_space<vmem>>
      %dma_start3A_325 = tpu.memref_slice %arg3[%mul3A_2] : memref<16384xi32, #tpu.memory_space<hbm>> -> memref<32xi32, #tpu.memory_space<hbm>>
      %dma_start3A_326 = arith.constant 0 : i32
      %dma_start3A_327 = tpu.memref_slice %arg5[%dma_start3A_326] : memref<512xi32, #tpu.memory_space<vmem>> -> memref<32xi32, #tpu.memory_space<vmem>>
      %dma_start3A_328 = tpu.memref_slice %arg3[%mul3A_2] : memref<16384xi32, #tpu.memory_space<hbm>> -> memref<32xi32, #tpu.memory_space<hbm>>
      tpu.enqueue_dma source(%dma_start3A_328 : memref<32xi32, #tpu.memory_space<hbm>>) target(%dma_start3A_327 : memref<32xi32, #tpu.memory_space<vmem>>) target_semaphore(%run_scoped3A : memref<!tpu.dma_semaphore, #tpu.memory_space<semaphore_mem>>)
      %dma_wait3A_329 = arith.constant 0 : i32
      %dma_wait3A_330 = tpu.memref_slice %arg5[%dma_wait3A_329] : memref<512xi32, #tpu.memory_space<vmem>> -> memref<32xi32, #tpu.memory_space<vmem>>
      %dma_wait3A_331 = tpu.memref_slice %arg3[%mul3A_2] : memref<16384xi32, #tpu.memory_space<hbm>> -> memref<32xi32, #tpu.memory_space<hbm>>
      %dma_wait3A_332 = arith.constant 0 : i32
      %dma_wait3A_333 = tpu.memref_slice %arg5[%dma_wait3A_332] : memref<512xi32, #tpu.memory_space<vmem>> -> memref<32xi32, #tpu.memory_space<vmem>>
      %dma_wait3A_334 = tpu.memref_slice %arg3[%mul3A_2] : memref<16384xi32, #tpu.memory_space<hbm>> -> memref<32xi32, #tpu.memory_space<hbm>>
      tpu.wait_dma2 semaphore(%run_scoped3A : memref<!tpu.dma_semaphore, #tpu.memory_space<semaphore_mem>>) src(%dma_wait3A_334 : memref<32xi32, #tpu.memory_space<hbm>>) dst(%dma_wait3A_333 : memref<32xi32, #tpu.memory_space<vmem>>)
      tpu.yield
    }) : () -> ()
    %dma_start3A = arith.constant 0 : i32
    %dma_start3A_3 = tpu.memref_slice %arg5[%dma_start3A] : memref<512xi32, #tpu.memory_space<vmem>> -> memref<32xi32, #tpu.memory_space<vmem>>
    %dma_start3A_4 = arith.constant 0 : i32
    %dma_start3A_5 = arith.constant 0 : i32
    %dma_start3A_6 = tpu.memref_slice %arg2[%dma_start3A_4, %dma_start3A_5] : memref<100000x1024xf32, #tpu.memory_space<hbm>> -> memref<100000x1024xf32, #tpu.memory_space<hbm>>
    tpu.enqueue_indirect_dma source(%dma_start3A_6 : memref<100000x1024xf32, #tpu.memory_space<hbm>>) target(%arg6 : memref<32x1024xf32, #tpu.memory_space<vmem>>) offsets(%dma_start3A_3 : memref<32xi32, #tpu.memory_space<vmem>>) semaphore(%arg9 : memref<!tpu.dma_semaphore, #tpu.memory_space<semaphore_mem>>)
    %add3A_7 = arith.constant 32 : i32
    %add3A_8 = arith.addi %mul3A_2, %add3A_7 : i32
    "tpu.region"() ({
      %run_scoped3A = tpu.sem_alloc : memref<!tpu.dma_semaphore, #tpu.memory_space<semaphore_mem>>
      %dma_start3A_323 = arith.constant 32 : i32
      %dma_start3A_324 = tpu.memref_slice %arg5[%dma_start3A_323] : memref<512xi32, #tpu.memory_space<vmem>> -> memref<480xi32, #tpu.memory_space<vmem>>
      %dma_start3A_325 = tpu.memref_slice %arg3[%add3A_8] : memref<16384xi32, #tpu.memory_space<hbm>> -> memref<480xi32, #tpu.memory_space<hbm>>
      %dma_start3A_326 = arith.constant 32 : i32
      %dma_start3A_327 = tpu.memref_slice %arg5[%dma_start3A_326] : memref<512xi32, #tpu.memory_space<vmem>> -> memref<480xi32, #tpu.memory_space<vmem>>
      %dma_start3A_328 = tpu.memref_slice %arg3[%add3A_8] : memref<16384xi32, #tpu.memory_space<hbm>> -> memref<480xi32, #tpu.memory_space<hbm>>
      tpu.enqueue_dma source(%dma_start3A_328 : memref<480xi32, #tpu.memory_space<hbm>>) target(%dma_start3A_327 : memref<480xi32, #tpu.memory_space<vmem>>) target_semaphore(%run_scoped3A : memref<!tpu.dma_semaphore, #tpu.memory_space<semaphore_mem>>)
      %dma_wait3A_329 = arith.constant 32 : i32
      %dma_wait3A_330 = tpu.memref_slice %arg5[%dma_wait3A_329] : memref<512xi32, #tpu.memory_space<vmem>> -> memref<480xi32, #tpu.memory_space<vmem>>
      %dma_wait3A_331 = tpu.memref_slice %arg3[%add3A_8] : memref<16384xi32, #tpu.memory_space<hbm>> -> memref<480xi32, #tpu.memory_space<hbm>>
      %dma_wait3A_332 = arith.constant 32 : i32
      %dma_wait3A_333 = tpu.memref_slice %arg5[%dma_wait3A_332] : memref<512xi32, #tpu.memory_space<vmem>> -> memref<480xi32, #tpu.memory_space<vmem>>
      %dma_wait3A_334 = tpu.memref_slice %arg3[%add3A_8] : memref<16384xi32, #tpu.memory_space<hbm>> -> memref<480xi32, #tpu.memory_space<hbm>>
      tpu.wait_dma2 semaphore(%run_scoped3A : memref<!tpu.dma_semaphore, #tpu.memory_space<semaphore_mem>>) src(%dma_wait3A_334 : memref<480xi32, #tpu.memory_space<hbm>>) dst(%dma_wait3A_333 : memref<480xi32, #tpu.memory_space<vmem>>)
      tpu.yield
    }) : () -> ()
    %dma_start3A_9 = arith.constant 32 : i32
    %dma_start3A_10 = tpu.memref_slice %arg5[%dma_start3A_9] : memref<512xi32, #tpu.memory_space<vmem>> -> memref<32xi32, #tpu.memory_space<vmem>>
    %dma_start3A_11 = arith.constant 0 : i32
    %dma_start3A_12 = arith.constant 0 : i32
    %dma_start3A_13 = tpu.memref_slice %arg2[%dma_start3A_11, %dma_start3A_12] : memref<100000x1024xf32, #tpu.memory_space<hbm>> -> memref<100000x1024xf32, #tpu.memory_space<hbm>>
    tpu.enqueue_indirect_dma source(%dma_start3A_13 : memref<100000x1024xf32, #tpu.memory_space<hbm>>) target(%arg7 : memref<32x1024xf32, #tpu.memory_space<vmem>>) offsets(%dma_start3A_10 : memref<32xi32, #tpu.memory_space<vmem>>) semaphore(%arg10 : memref<!tpu.dma_semaphore, #tpu.memory_space<semaphore_mem>>)
    %dma_start3A_14 = arith.constant 64 : i32
    %dma_start3A_15 = tpu.memref_slice %arg5[%dma_start3A_14] : memref<512xi32, #tpu.memory_space<vmem>> -> memref<32xi32, #tpu.memory_space<vmem>>
    %dma_start3A_16 = arith.constant 0 : i32
    %dma_start3A_17 = arith.constant 0 : i32
    %dma_start3A_18 = tpu.memref_slice %arg2[%dma_start3A_16, %dma_start3A_17] : memref<100000x1024xf32, #tpu.memory_space<hbm>> -> memref<100000x1024xf32, #tpu.memory_space<hbm>>
    tpu.enqueue_indirect_dma source(%dma_start3A_18 : memref<100000x1024xf32, #tpu.memory_space<hbm>>) target(%arg8 : memref<32x1024xf32, #tpu.memory_space<vmem>>) offsets(%dma_start3A_15 : memref<32xi32, #tpu.memory_space<vmem>>) semaphore(%arg11 : memref<!tpu.dma_semaphore, #tpu.memory_space<semaphore_mem>>)
    %dma_wait3A = arith.constant 0 : i32
    %dma_wait3A_19 = tpu.memref_slice %arg5[%dma_wait3A] : memref<512xi32, #tpu.memory_space<vmem>> -> memref<32xi32, #tpu.memory_space<vmem>>
    %dma_wait3A_20 = arith.constant 0 : i32
    %dma_wait3A_21 = arith.constant 0 : i32
    %dma_wait3A_22 = tpu.memref_slice %arg2[%dma_wait3A_20, %dma_wait3A_21] : memref<100000x1024xf32, #tpu.memory_space<hbm>> -> memref<100000x1024xf32, #tpu.memory_space<hbm>>
    tpu.wait_indirect_dma semaphore(%arg9 : memref<!tpu.dma_semaphore, #tpu.memory_space<semaphore_mem>>) src(%dma_wait3A_22 : memref<100000x1024xf32, #tpu.memory_space<hbm>>) dst(%arg6 : memref<32x1024xf32, #tpu.memory_space<vmem>>)
    %add3A_23 = arith.constant 0 : i32
    %add3A_24 = arith.addi %mul3A_2, %add3A_23 : i32
    %dma_start3A_25 = arith.constant 0 : i32
    %dma_start3A_26 = tpu.memref_slice %arg4[%add3A_24, %dma_start3A_25] : memref<16384x1024xf32, #tpu.memory_space<hbm>> -> memref<32x1024xf32, #tpu.memory_space<hbm>>
    %dma_start3A_27 = arith.constant 0 : i32
    %dma_start3A_28 = tpu.memref_slice %arg4[%add3A_24, %dma_start3A_27] : memref<16384x1024xf32, #tpu.memory_space<hbm>> -> memref<32x1024xf32, #tpu.memory_space<hbm>>
    tpu.enqueue_dma source(%arg6 : memref<32x1024xf32, #tpu.memory_space<vmem>>) target(%dma_start3A_28 : memref<32x1024xf32, #tpu.memory_space<hbm>>) target_semaphore(%arg12 : memref<!tpu.dma_semaphore, #tpu.memory_space<semaphore_mem>>)
    %dma_wait3A_29 = arith.constant 0 : i32
    %dma_wait3A_30 = tpu.memref_slice %arg4[%add3A_24, %dma_wait3A_29] : memref<16384x1024xf32, #tpu.memory_space<hbm>> -> memref<32x1024xf32, #tpu.memory_space<hbm>>
    %dma_wait3A_31 = arith.constant 0 : i32
    %dma_wait3A_32 = tpu.memref_slice %arg4[%add3A_24, %dma_wait3A_31] : memref<16384x1024xf32, #tpu.memory_space<hbm>> -> memref<32x1024xf32, #tpu.memory_space<hbm>>
    tpu.wait_dma2 semaphore(%arg12 : memref<!tpu.dma_semaphore, #tpu.memory_space<semaphore_mem>>) src(%arg6 : memref<32x1024xf32, #tpu.memory_space<vmem>>) dst(%dma_wait3A_32 : memref<32x1024xf32, #tpu.memory_space<hbm>>)
    %dma_start3A_33 = arith.constant 96 : i32
    %dma_start3A_34 = tpu.memref_slice %arg5[%dma_start3A_33] : memref<512xi32, #tpu.memory_space<vmem>> -> memref<32xi32, #tpu.memory_space<vmem>>
    %dma_start3A_35 = arith.constant 0 : i32
    %dma_start3A_36 = arith.constant 0 : i32
    %dma_start3A_37 = tpu.memref_slice %arg2[%dma_start3A_35, %dma_start3A_36] : memref<100000x1024xf32, #tpu.memory_space<hbm>> -> memref<100000x1024xf32, #tpu.memory_space<hbm>>
    tpu.enqueue_indirect_dma source(%dma_start3A_37 : memref<100000x1024xf32, #tpu.memory_space<hbm>>) target(%arg6 : memref<32x1024xf32, #tpu.memory_space<vmem>>) offsets(%dma_start3A_34 : memref<32xi32, #tpu.memory_space<vmem>>) semaphore(%arg9 : memref<!tpu.dma_semaphore, #tpu.memory_space<semaphore_mem>>)
    %dma_wait3A_38 = arith.constant 32 : i32
    %dma_wait3A_39 = tpu.memref_slice %arg5[%dma_wait3A_38] : memref<512xi32, #tpu.memory_space<vmem>> -> memref<32xi32, #tpu.memory_space<vmem>>
    %dma_wait3A_40 = arith.constant 0 : i32
    %dma_wait3A_41 = arith.constant 0 : i32
    %dma_wait3A_42 = tpu.memref_slice %arg2[%dma_wait3A_40, %dma_wait3A_41] : memref<100000x1024xf32, #tpu.memory_space<hbm>> -> memref<100000x1024xf32, #tpu.memory_space<hbm>>
    tpu.wait_indirect_dma semaphore(%arg10 : memref<!tpu.dma_semaphore, #tpu.memory_space<semaphore_mem>>) src(%dma_wait3A_42 : memref<100000x1024xf32, #tpu.memory_space<hbm>>) dst(%arg7 : memref<32x1024xf32, #tpu.memory_space<vmem>>)
    %add3A_43 = arith.constant 32 : i32
    %add3A_44 = arith.addi %mul3A_2, %add3A_43 : i32
    %dma_start3A_45 = arith.constant 0 : i32
    %dma_start3A_46 = tpu.memref_slice %arg4[%add3A_44, %dma_start3A_45] : memref<16384x1024xf32, #tpu.memory_space<hbm>> -> memref<32x1024xf32, #tpu.memory_space<hbm>>
    %dma_start3A_47 = arith.constant 0 : i32
    %dma_start3A_48 = tpu.memref_slice %arg4[%add3A_44, %dma_start3A_47] : memref<16384x1024xf32, #tpu.memory_space<hbm>> -> memref<32x1024xf32, #tpu.memory_space<hbm>>
    tpu.enqueue_dma source(%arg7 : memref<32x1024xf32, #tpu.memory_space<vmem>>) target(%dma_start3A_48 : memref<32x1024xf32, #tpu.memory_space<hbm>>) target_semaphore(%arg13 : memref<!tpu.dma_semaphore, #tpu.memory_space<semaphore_mem>>)
    %dma_wait3A_49 = arith.constant 0 : i32
    %dma_wait3A_50 = tpu.memref_slice %arg4[%add3A_44, %dma_wait3A_49] : memref<16384x1024xf32, #tpu.memory_space<hbm>> -> memref<32x1024xf32, #tpu.memory_space<hbm>>
    %dma_wait3A_51 = arith.constant 0 : i32
    %dma_wait3A_52 = tpu.memref_slice %arg4[%add3A_44, %dma_wait3A_51] : memref<16384x1024xf32, #tpu.memory_space<hbm>> -> memref<32x1024xf32, #tpu.memory_space<hbm>>
    tpu.wait_dma2 semaphore(%arg13 : memref<!tpu.dma_semaphore, #tpu.memory_space<semaphore_mem>>) src(%arg7 : memref<32x1024xf32, #tpu.memory_space<vmem>>) dst(%dma_wait3A_52 : memref<32x1024xf32, #tpu.memory_space<hbm>>)
    %dma_start3A_53 = arith.constant 128 : i32
    %dma_start3A_54 = tpu.memref_slice %arg5[%dma_start3A_53] : memref<512xi32, #tpu.memory_space<vmem>> -> memref<32xi32, #tpu.memory_space<vmem>>
    %dma_start3A_55 = arith.constant 0 : i32
    %dma_start3A_56 = arith.constant 0 : i32
    %dma_start3A_57 = tpu.memref_slice %arg2[%dma_start3A_55, %dma_start3A_56] : memref<100000x1024xf32, #tpu.memory_space<hbm>> -> memref<100000x1024xf32, #tpu.memory_space<hbm>>
    tpu.enqueue_indirect_dma source(%dma_start3A_57 : memref<100000x1024xf32, #tpu.memory_space<hbm>>) target(%arg7 : memref<32x1024xf32, #tpu.memory_space<vmem>>) offsets(%dma_start3A_54 : memref<32xi32, #tpu.memory_space<vmem>>) semaphore(%arg10 : memref<!tpu.dma_semaphore, #tpu.memory_space<semaphore_mem>>)
    %dma_wait3A_58 = arith.constant 64 : i32
    %dma_wait3A_59 = tpu.memref_slice %arg5[%dma_wait3A_58] : memref<512xi32, #tpu.memory_space<vmem>> -> memref<32xi32, #tpu.memory_space<vmem>>
    %dma_wait3A_60 = arith.constant 0 : i32
    %dma_wait3A_61 = arith.constant 0 : i32
    %dma_wait3A_62 = tpu.memref_slice %arg2[%dma_wait3A_60, %dma_wait3A_61] : memref<100000x1024xf32, #tpu.memory_space<hbm>> -> memref<100000x1024xf32, #tpu.memory_space<hbm>>
    tpu.wait_indirect_dma semaphore(%arg11 : memref<!tpu.dma_semaphore, #tpu.memory_space<semaphore_mem>>) src(%dma_wait3A_62 : memref<100000x1024xf32, #tpu.memory_space<hbm>>) dst(%arg8 : memref<32x1024xf32, #tpu.memory_space<vmem>>)
    %add3A_63 = arith.constant 64 : i32
    %add3A_64 = arith.addi %mul3A_2, %add3A_63 : i32
    %dma_start3A_65 = arith.constant 0 : i32
    %dma_start3A_66 = tpu.memref_slice %arg4[%add3A_64, %dma_start3A_65] : memref<16384x1024xf32, #tpu.memory_space<hbm>> -> memref<32x1024xf32, #tpu.memory_space<hbm>>
    %dma_start3A_67 = arith.constant 0 : i32
    %dma_start3A_68 = tpu.memref_slice %arg4[%add3A_64, %dma_start3A_67] : memref<16384x1024xf32, #tpu.memory_space<hbm>> -> memref<32x1024xf32, #tpu.memory_space<hbm>>
    tpu.enqueue_dma source(%arg8 : memref<32x1024xf32, #tpu.memory_space<vmem>>) target(%dma_start3A_68 : memref<32x1024xf32, #tpu.memory_space<hbm>>) target_semaphore(%arg14 : memref<!tpu.dma_semaphore, #tpu.memory_space<semaphore_mem>>)
    %dma_wait3A_69 = arith.constant 0 : i32
    %dma_wait3A_70 = tpu.memref_slice %arg4[%add3A_64, %dma_wait3A_69] : memref<16384x1024xf32, #tpu.memory_space<hbm>> -> memref<32x1024xf32, #tpu.memory_space<hbm>>
    %dma_wait3A_71 = arith.constant 0 : i32
    %dma_wait3A_72 = tpu.memref_slice %arg4[%add3A_64, %dma_wait3A_71] : memref<16384x1024xf32, #tpu.memory_space<hbm>> -> memref<32x1024xf32, #tpu.memory_space<hbm>>
    tpu.wait_dma2 semaphore(%arg14 : memref<!tpu.dma_semaphore, #tpu.memory_space<semaphore_mem>>) src(%arg8 : memref<32x1024xf32, #tpu.memory_space<vmem>>) dst(%dma_wait3A_72 : memref<32x1024xf32, #tpu.memory_space<hbm>>)
    %dma_start3A_73 = arith.constant 160 : i32
    %dma_start3A_74 = tpu.memref_slice %arg5[%dma_start3A_73] : memref<512xi32, #tpu.memory_space<vmem>> -> memref<32xi32, #tpu.memory_space<vmem>>
    %dma_start3A_75 = arith.constant 0 : i32
    %dma_start3A_76 = arith.constant 0 : i32
    %dma_start3A_77 = tpu.memref_slice %arg2[%dma_start3A_75, %dma_start3A_76] : memref<100000x1024xf32, #tpu.memory_space<hbm>> -> memref<100000x1024xf32, #tpu.memory_space<hbm>>
    tpu.enqueue_indirect_dma source(%dma_start3A_77 : memref<100000x1024xf32, #tpu.memory_space<hbm>>) target(%arg8 : memref<32x1024xf32, #tpu.memory_space<vmem>>) offsets(%dma_start3A_74 : memref<32xi32, #tpu.memory_space<vmem>>) semaphore(%arg11 : memref<!tpu.dma_semaphore, #tpu.memory_space<semaphore_mem>>)
    %dma_wait3A_78 = arith.constant 96 : i32
    %dma_wait3A_79 = tpu.memref_slice %arg5[%dma_wait3A_78] : memref<512xi32, #tpu.memory_space<vmem>> -> memref<32xi32, #tpu.memory_space<vmem>>
    %dma_wait3A_80 = arith.constant 0 : i32
    %dma_wait3A_81 = arith.constant 0 : i32
    %dma_wait3A_82 = tpu.memref_slice %arg2[%dma_wait3A_80, %dma_wait3A_81] : memref<100000x1024xf32, #tpu.memory_space<hbm>> -> memref<100000x1024xf32, #tpu.memory_space<hbm>>
    tpu.wait_indirect_dma semaphore(%arg9 : memref<!tpu.dma_semaphore, #tpu.memory_space<semaphore_mem>>) src(%dma_wait3A_82 : memref<100000x1024xf32, #tpu.memory_space<hbm>>) dst(%arg6 : memref<32x1024xf32, #tpu.memory_space<vmem>>)
    %add3A_83 = arith.constant 96 : i32
    %add3A_84 = arith.addi %mul3A_2, %add3A_83 : i32
    %dma_start3A_85 = arith.constant 0 : i32
    %dma_start3A_86 = tpu.memref_slice %arg4[%add3A_84, %dma_start3A_85] : memref<16384x1024xf32, #tpu.memory_space<hbm>> -> memref<32x1024xf32, #tpu.memory_space<hbm>>
    %dma_start3A_87 = arith.constant 0 : i32
    %dma_start3A_88 = tpu.memref_slice %arg4[%add3A_84, %dma_start3A_87] : memref<16384x1024xf32, #tpu.memory_space<hbm>> -> memref<32x1024xf32, #tpu.memory_space<hbm>>
    tpu.enqueue_dma source(%arg6 : memref<32x1024xf32, #tpu.memory_space<vmem>>) target(%dma_start3A_88 : memref<32x1024xf32, #tpu.memory_space<hbm>>) target_semaphore(%arg12 : memref<!tpu.dma_semaphore, #tpu.memory_space<semaphore_mem>>)
    %dma_wait3A_89 = arith.constant 0 : i32
    %dma_wait3A_90 = tpu.memref_slice %arg4[%add3A_84, %dma_wait3A_89] : memref<16384x1024xf32, #tpu.memory_space<hbm>> -> memref<32x1024xf32, #tpu.memory_space<hbm>>
    %dma_wait3A_91 = arith.constant 0 : i32
    %dma_wait3A_92 = tpu.memref_slice %arg4[%add3A_84, %dma_wait3A_91] : memref<16384x1024xf32, #tpu.memory_space<hbm>> -> memref<32x1024xf32, #tpu.memory_space<hbm>>
    tpu.wait_dma2 semaphore(%arg12 : memref<!tpu.dma_semaphore, #tpu.memory_space<semaphore_mem>>) src(%arg6 : memref<32x1024xf32, #tpu.memory_space<vmem>>) dst(%dma_wait3A_92 : memref<32x1024xf32, #tpu.memory_space<hbm>>)
    %dma_start3A_93 = arith.constant 192 : i32
    %dma_start3A_94 = tpu.memref_slice %arg5[%dma_start3A_93] : memref<512xi32, #tpu.memory_space<vmem>> -> memref<32xi32, #tpu.memory_space<vmem>>
    %dma_start3A_95 = arith.constant 0 : i32
    %dma_start3A_96 = arith.constant 0 : i32
    %dma_start3A_97 = tpu.memref_slice %arg2[%dma_start3A_95, %dma_start3A_96] : memref<100000x1024xf32, #tpu.memory_space<hbm>> -> memref<100000x1024xf32, #tpu.memory_space<hbm>>
    tpu.enqueue_indirect_dma source(%dma_start3A_97 : memref<100000x1024xf32, #tpu.memory_space<hbm>>) target(%arg6 : memref<32x1024xf32, #tpu.memory_space<vmem>>) offsets(%dma_start3A_94 : memref<32xi32, #tpu.memory_space<vmem>>) semaphore(%arg9 : memref<!tpu.dma_semaphore, #tpu.memory_space<semaphore_mem>>)
    %dma_wait3A_98 = arith.constant 128 : i32
    %dma_wait3A_99 = tpu.memref_slice %arg5[%dma_wait3A_98] : memref<512xi32, #tpu.memory_space<vmem>> -> memref<32xi32, #tpu.memory_space<vmem>>
    %dma_wait3A_100 = arith.constant 0 : i32
    %dma_wait3A_101 = arith.constant 0 : i32
    %dma_wait3A_102 = tpu.memref_slice %arg2[%dma_wait3A_100, %dma_wait3A_101] : memref<100000x1024xf32, #tpu.memory_space<hbm>> -> memref<100000x1024xf32, #tpu.memory_space<hbm>>
    tpu.wait_indirect_dma semaphore(%arg10 : memref<!tpu.dma_semaphore, #tpu.memory_space<semaphore_mem>>) src(%dma_wait3A_102 : memref<100000x1024xf32, #tpu.memory_space<hbm>>) dst(%arg7 : memref<32x1024xf32, #tpu.memory_space<vmem>>)
    %add3A_103 = arith.constant 128 : i32
    %add3A_104 = arith.addi %mul3A_2, %add3A_103 : i32
    %dma_start3A_105 = arith.constant 0 : i32
    %dma_start3A_106 = tpu.memref_slice %arg4[%add3A_104, %dma_start3A_105] : memref<16384x1024xf32, #tpu.memory_space<hbm>> -> memref<32x1024xf32, #tpu.memory_space<hbm>>
    %dma_start3A_107 = arith.constant 0 : i32
    %dma_start3A_108 = tpu.memref_slice %arg4[%add3A_104, %dma_start3A_107] : memref<16384x1024xf32, #tpu.memory_space<hbm>> -> memref<32x1024xf32, #tpu.memory_space<hbm>>
    tpu.enqueue_dma source(%arg7 : memref<32x1024xf32, #tpu.memory_space<vmem>>) target(%dma_start3A_108 : memref<32x1024xf32, #tpu.memory_space<hbm>>) target_semaphore(%arg13 : memref<!tpu.dma_semaphore, #tpu.memory_space<semaphore_mem>>)
    %dma_wait3A_109 = arith.constant 0 : i32
    %dma_wait3A_110 = tpu.memref_slice %arg4[%add3A_104, %dma_wait3A_109] : memref<16384x1024xf32, #tpu.memory_space<hbm>> -> memref<32x1024xf32, #tpu.memory_space<hbm>>
    %dma_wait3A_111 = arith.constant 0 : i32
    %dma_wait3A_112 = tpu.memref_slice %arg4[%add3A_104, %dma_wait3A_111] : memref<16384x1024xf32, #tpu.memory_space<hbm>> -> memref<32x1024xf32, #tpu.memory_space<hbm>>
    tpu.wait_dma2 semaphore(%arg13 : memref<!tpu.dma_semaphore, #tpu.memory_space<semaphore_mem>>) src(%arg7 : memref<32x1024xf32, #tpu.memory_space<vmem>>) dst(%dma_wait3A_112 : memref<32x1024xf32, #tpu.memory_space<hbm>>)
    %dma_start3A_113 = arith.constant 224 : i32
    %dma_start3A_114 = tpu.memref_slice %arg5[%dma_start3A_113] : memref<512xi32, #tpu.memory_space<vmem>> -> memref<32xi32, #tpu.memory_space<vmem>>
    %dma_start3A_115 = arith.constant 0 : i32
    %dma_start3A_116 = arith.constant 0 : i32
    %dma_start3A_117 = tpu.memref_slice %arg2[%dma_start3A_115, %dma_start3A_116] : memref<100000x1024xf32, #tpu.memory_space<hbm>> -> memref<100000x1024xf32, #tpu.memory_space<hbm>>
    tpu.enqueue_indirect_dma source(%dma_start3A_117 : memref<100000x1024xf32, #tpu.memory_space<hbm>>) target(%arg7 : memref<32x1024xf32, #tpu.memory_space<vmem>>) offsets(%dma_start3A_114 : memref<32xi32, #tpu.memory_space<vmem>>) semaphore(%arg10 : memref<!tpu.dma_semaphore, #tpu.memory_space<semaphore_mem>>)
    %dma_wait3A_118 = arith.constant 160 : i32
    %dma_wait3A_119 = tpu.memref_slice %arg5[%dma_wait3A_118] : memref<512xi32, #tpu.memory_space<vmem>> -> memref<32xi32, #tpu.memory_space<vmem>>
    %dma_wait3A_120 = arith.constant 0 : i32
    %dma_wait3A_121 = arith.constant 0 : i32
    %dma_wait3A_122 = tpu.memref_slice %arg2[%dma_wait3A_120, %dma_wait3A_121] : memref<100000x1024xf32, #tpu.memory_space<hbm>> -> memref<100000x1024xf32, #tpu.memory_space<hbm>>
    tpu.wait_indirect_dma semaphore(%arg11 : memref<!tpu.dma_semaphore, #tpu.memory_space<semaphore_mem>>) src(%dma_wait3A_122 : memref<100000x1024xf32, #tpu.memory_space<hbm>>) dst(%arg8 : memref<32x1024xf32, #tpu.memory_space<vmem>>)
    %add3A_123 = arith.constant 160 : i32
    %add3A_124 = arith.addi %mul3A_2, %add3A_123 : i32
    %dma_start3A_125 = arith.constant 0 : i32
    %dma_start3A_126 = tpu.memref_slice %arg4[%add3A_124, %dma_start3A_125] : memref<16384x1024xf32, #tpu.memory_space<hbm>> -> memref<32x1024xf32, #tpu.memory_space<hbm>>
    %dma_start3A_127 = arith.constant 0 : i32
    %dma_start3A_128 = tpu.memref_slice %arg4[%add3A_124, %dma_start3A_127] : memref<16384x1024xf32, #tpu.memory_space<hbm>> -> memref<32x1024xf32, #tpu.memory_space<hbm>>
    tpu.enqueue_dma source(%arg8 : memref<32x1024xf32, #tpu.memory_space<vmem>>) target(%dma_start3A_128 : memref<32x1024xf32, #tpu.memory_space<hbm>>) target_semaphore(%arg14 : memref<!tpu.dma_semaphore, #tpu.memory_space<semaphore_mem>>)
    %dma_wait3A_129 = arith.constant 0 : i32
    %dma_wait3A_130 = tpu.memref_slice %arg4[%add3A_124, %dma_wait3A_129] : memref<16384x1024xf32, #tpu.memory_space<hbm>> -> memref<32x1024xf32, #tpu.memory_space<hbm>>
    %dma_wait3A_131 = arith.constant 0 : i32
    %dma_wait3A_132 = tpu.memref_slice %arg4[%add3A_124, %dma_wait3A_131] : memref<16384x1024xf32, #tpu.memory_space<hbm>> -> memref<32x1024xf32, #tpu.memory_space<hbm>>
    tpu.wait_dma2 semaphore(%arg14 : memref<!tpu.dma_semaphore, #tpu.memory_space<semaphore_mem>>) src(%arg8 : memref<32x1024xf32, #tpu.memory_space<vmem>>) dst(%dma_wait3A_132 : memref<32x1024xf32, #tpu.memory_space<hbm>>)
    %dma_start3A_133 = arith.constant 256 : i32
    %dma_start3A_134 = tpu.memref_slice %arg5[%dma_start3A_133] : memref<512xi32, #tpu.memory_space<vmem>> -> memref<32xi32, #tpu.memory_space<vmem>>
    %dma_start3A_135 = arith.constant 0 : i32
    %dma_start3A_136 = arith.constant 0 : i32
    %dma_start3A_137 = tpu.memref_slice %arg2[%dma_start3A_135, %dma_start3A_136] : memref<100000x1024xf32, #tpu.memory_space<hbm>> -> memref<100000x1024xf32, #tpu.memory_space<hbm>>
    tpu.enqueue_indirect_dma source(%dma_start3A_137 : memref<100000x1024xf32, #tpu.memory_space<hbm>>) target(%arg8 : memref<32x1024xf32, #tpu.memory_space<vmem>>) offsets(%dma_start3A_134 : memref<32xi32, #tpu.memory_space<vmem>>) semaphore(%arg11 : memref<!tpu.dma_semaphore, #tpu.memory_space<semaphore_mem>>)
    %dma_wait3A_138 = arith.constant 192 : i32
    %dma_wait3A_139 = tpu.memref_slice %arg5[%dma_wait3A_138] : memref<512xi32, #tpu.memory_space<vmem>> -> memref<32xi32, #tpu.memory_space<vmem>>
    %dma_wait3A_140 = arith.constant 0 : i32
    %dma_wait3A_141 = arith.constant 0 : i32
    %dma_wait3A_142 = tpu.memref_slice %arg2[%dma_wait3A_140, %dma_wait3A_141] : memref<100000x1024xf32, #tpu.memory_space<hbm>> -> memref<100000x1024xf32, #tpu.memory_space<hbm>>
    tpu.wait_indirect_dma semaphore(%arg9 : memref<!tpu.dma_semaphore, #tpu.memory_space<semaphore_mem>>) src(%dma_wait3A_142 : memref<100000x1024xf32, #tpu.memory_space<hbm>>) dst(%arg6 : memref<32x1024xf32, #tpu.memory_space<vmem>>)
    %add3A_143 = arith.constant 192 : i32
    %add3A_144 = arith.addi %mul3A_2, %add3A_143 : i32
    %dma_start3A_145 = arith.constant 0 : i32
    %dma_start3A_146 = tpu.memref_slice %arg4[%add3A_144, %dma_start3A_145] : memref<16384x1024xf32, #tpu.memory_space<hbm>> -> memref<32x1024xf32, #tpu.memory_space<hbm>>
    %dma_start3A_147 = arith.constant 0 : i32
    %dma_start3A_148 = tpu.memref_slice %arg4[%add3A_144, %dma_start3A_147] : memref<16384x1024xf32, #tpu.memory_space<hbm>> -> memref<32x1024xf32, #tpu.memory_space<hbm>>
    tpu.enqueue_dma source(%arg6 : memref<32x1024xf32, #tpu.memory_space<vmem>>) target(%dma_start3A_148 : memref<32x1024xf32, #tpu.memory_space<hbm>>) target_semaphore(%arg12 : memref<!tpu.dma_semaphore, #tpu.memory_space<semaphore_mem>>)
    %dma_wait3A_149 = arith.constant 0 : i32
    %dma_wait3A_150 = tpu.memref_slice %arg4[%add3A_144, %dma_wait3A_149] : memref<16384x1024xf32, #tpu.memory_space<hbm>> -> memref<32x1024xf32, #tpu.memory_space<hbm>>
    %dma_wait3A_151 = arith.constant 0 : i32
    %dma_wait3A_152 = tpu.memref_slice %arg4[%add3A_144, %dma_wait3A_151] : memref<16384x1024xf32, #tpu.memory_space<hbm>> -> memref<32x1024xf32, #tpu.memory_space<hbm>>
    tpu.wait_dma2 semaphore(%arg12 : memref<!tpu.dma_semaphore, #tpu.memory_space<semaphore_mem>>) src(%arg6 : memref<32x1024xf32, #tpu.memory_space<vmem>>) dst(%dma_wait3A_152 : memref<32x1024xf32, #tpu.memory_space<hbm>>)
    %dma_start3A_153 = arith.constant 288 : i32
    %dma_start3A_154 = tpu.memref_slice %arg5[%dma_start3A_153] : memref<512xi32, #tpu.memory_space<vmem>> -> memref<32xi32, #tpu.memory_space<vmem>>
    %dma_start3A_155 = arith.constant 0 : i32
    %dma_start3A_156 = arith.constant 0 : i32
    %dma_start3A_157 = tpu.memref_slice %arg2[%dma_start3A_155, %dma_start3A_156] : memref<100000x1024xf32, #tpu.memory_space<hbm>> -> memref<100000x1024xf32, #tpu.memory_space<hbm>>
    tpu.enqueue_indirect_dma source(%dma_start3A_157 : memref<100000x1024xf32, #tpu.memory_space<hbm>>) target(%arg6 : memref<32x1024xf32, #tpu.memory_space<vmem>>) offsets(%dma_start3A_154 : memref<32xi32, #tpu.memory_space<vmem>>) semaphore(%arg9 : memref<!tpu.dma_semaphore, #tpu.memory_space<semaphore_mem>>)
    %dma_wait3A_158 = arith.constant 224 : i32
    %dma_wait3A_159 = tpu.memref_slice %arg5[%dma_wait3A_158] : memref<512xi32, #tpu.memory_space<vmem>> -> memref<32xi32, #tpu.memory_space<vmem>>
    %dma_wait3A_160 = arith.constant 0 : i32
    %dma_wait3A_161 = arith.constant 0 : i32
    %dma_wait3A_162 = tpu.memref_slice %arg2[%dma_wait3A_160, %dma_wait3A_161] : memref<100000x1024xf32, #tpu.memory_space<hbm>> -> memref<100000x1024xf32, #tpu.memory_space<hbm>>
    tpu.wait_indirect_dma semaphore(%arg10 : memref<!tpu.dma_semaphore, #tpu.memory_space<semaphore_mem>>) src(%dma_wait3A_162 : memref<100000x1024xf32, #tpu.memory_space<hbm>>) dst(%arg7 : memref<32x1024xf32, #tpu.memory_space<vmem>>)
    %add3A_163 = arith.constant 224 : i32
    %add3A_164 = arith.addi %mul3A_2, %add3A_163 : i32
    %dma_start3A_165 = arith.constant 0 : i32
    %dma_start3A_166 = tpu.memref_slice %arg4[%add3A_164, %dma_start3A_165] : memref<16384x1024xf32, #tpu.memory_space<hbm>> -> memref<32x1024xf32, #tpu.memory_space<hbm>>
    %dma_start3A_167 = arith.constant 0 : i32
    %dma_start3A_168 = tpu.memref_slice %arg4[%add3A_164, %dma_start3A_167] : memref<16384x1024xf32, #tpu.memory_space<hbm>> -> memref<32x1024xf32, #tpu.memory_space<hbm>>
    tpu.enqueue_dma source(%arg7 : memref<32x1024xf32, #tpu.memory_space<vmem>>) target(%dma_start3A_168 : memref<32x1024xf32, #tpu.memory_space<hbm>>) target_semaphore(%arg13 : memref<!tpu.dma_semaphore, #tpu.memory_space<semaphore_mem>>)
    %dma_wait3A_169 = arith.constant 0 : i32
    %dma_wait3A_170 = tpu.memref_slice %arg4[%add3A_164, %dma_wait3A_169] : memref<16384x1024xf32, #tpu.memory_space<hbm>> -> memref<32x1024xf32, #tpu.memory_space<hbm>>
    %dma_wait3A_171 = arith.constant 0 : i32
    %dma_wait3A_172 = tpu.memref_slice %arg4[%add3A_164, %dma_wait3A_171] : memref<16384x1024xf32, #tpu.memory_space<hbm>> -> memref<32x1024xf32, #tpu.memory_space<hbm>>
    tpu.wait_dma2 semaphore(%arg13 : memref<!tpu.dma_semaphore, #tpu.memory_space<semaphore_mem>>) src(%arg7 : memref<32x1024xf32, #tpu.memory_space<vmem>>) dst(%dma_wait3A_172 : memref<32x1024xf32, #tpu.memory_space<hbm>>)
    %dma_start3A_173 = arith.constant 320 : i32
    %dma_start3A_174 = tpu.memref_slice %arg5[%dma_start3A_173] : memref<512xi32, #tpu.memory_space<vmem>> -> memref<32xi32, #tpu.memory_space<vmem>>
    %dma_start3A_175 = arith.constant 0 : i32
    %dma_start3A_176 = arith.constant 0 : i32
    %dma_start3A_177 = tpu.memref_slice %arg2[%dma_start3A_175, %dma_start3A_176] : memref<100000x1024xf32, #tpu.memory_space<hbm>> -> memref<100000x1024xf32, #tpu.memory_space<hbm>>
    tpu.enqueue_indirect_dma source(%dma_start3A_177 : memref<100000x1024xf32, #tpu.memory_space<hbm>>) target(%arg7 : memref<32x1024xf32, #tpu.memory_space<vmem>>) offsets(%dma_start3A_174 : memref<32xi32, #tpu.memory_space<vmem>>) semaphore(%arg10 : memref<!tpu.dma_semaphore, #tpu.memory_space<semaphore_mem>>)
    %dma_wait3A_178 = arith.constant 256 : i32
    %dma_wait3A_179 = tpu.memref_slice %arg5[%dma_wait3A_178] : memref<512xi32, #tpu.memory_space<vmem>> -> memref<32xi32, #tpu.memory_space<vmem>>
    %dma_wait3A_180 = arith.constant 0 : i32
    %dma_wait3A_181 = arith.constant 0 : i32
    %dma_wait3A_182 = tpu.memref_slice %arg2[%dma_wait3A_180, %dma_wait3A_181] : memref<100000x1024xf32, #tpu.memory_space<hbm>> -> memref<100000x1024xf32, #tpu.memory_space<hbm>>
    tpu.wait_indirect_dma semaphore(%arg11 : memref<!tpu.dma_semaphore, #tpu.memory_space<semaphore_mem>>) src(%dma_wait3A_182 : memref<100000x1024xf32, #tpu.memory_space<hbm>>) dst(%arg8 : memref<32x1024xf32, #tpu.memory_space<vmem>>)
    %add3A_183 = arith.constant 256 : i32
    %add3A_184 = arith.addi %mul3A_2, %add3A_183 : i32
    %dma_start3A_185 = arith.constant 0 : i32
    %dma_start3A_186 = tpu.memref_slice %arg4[%add3A_184, %dma_start3A_185] : memref<16384x1024xf32, #tpu.memory_space<hbm>> -> memref<32x1024xf32, #tpu.memory_space<hbm>>
    %dma_start3A_187 = arith.constant 0 : i32
    %dma_start3A_188 = tpu.memref_slice %arg4[%add3A_184, %dma_start3A_187] : memref<16384x1024xf32, #tpu.memory_space<hbm>> -> memref<32x1024xf32, #tpu.memory_space<hbm>>
    tpu.enqueue_dma source(%arg8 : memref<32x1024xf32, #tpu.memory_space<vmem>>) target(%dma_start3A_188 : memref<32x1024xf32, #tpu.memory_space<hbm>>) target_semaphore(%arg14 : memref<!tpu.dma_semaphore, #tpu.memory_space<semaphore_mem>>)
    %dma_wait3A_189 = arith.constant 0 : i32
    %dma_wait3A_190 = tpu.memref_slice %arg4[%add3A_184, %dma_wait3A_189] : memref<16384x1024xf32, #tpu.memory_space<hbm>> -> memref<32x1024xf32, #tpu.memory_space<hbm>>
    %dma_wait3A_191 = arith.constant 0 : i32
    %dma_wait3A_192 = tpu.memref_slice %arg4[%add3A_184, %dma_wait3A_191] : memref<16384x1024xf32, #tpu.memory_space<hbm>> -> memref<32x1024xf32, #tpu.memory_space<hbm>>
    tpu.wait_dma2 semaphore(%arg14 : memref<!tpu.dma_semaphore, #tpu.memory_space<semaphore_mem>>) src(%arg8 : memref<32x1024xf32, #tpu.memory_space<vmem>>) dst(%dma_wait3A_192 : memref<32x1024xf32, #tpu.memory_space<hbm>>)
    %dma_start3A_193 = arith.constant 352 : i32
    %dma_start3A_194 = tpu.memref_slice %arg5[%dma_start3A_193] : memref<512xi32, #tpu.memory_space<vmem>> -> memref<32xi32, #tpu.memory_space<vmem>>
    %dma_start3A_195 = arith.constant 0 : i32
    %dma_start3A_196 = arith.constant 0 : i32
    %dma_start3A_197 = tpu.memref_slice %arg2[%dma_start3A_195, %dma_start3A_196] : memref<100000x1024xf32, #tpu.memory_space<hbm>> -> memref<100000x1024xf32, #tpu.memory_space<hbm>>
    tpu.enqueue_indirect_dma source(%dma_start3A_197 : memref<100000x1024xf32, #tpu.memory_space<hbm>>) target(%arg8 : memref<32x1024xf32, #tpu.memory_space<vmem>>) offsets(%dma_start3A_194 : memref<32xi32, #tpu.memory_space<vmem>>) semaphore(%arg11 : memref<!tpu.dma_semaphore, #tpu.memory_space<semaphore_mem>>)
    %dma_wait3A_198 = arith.constant 288 : i32
    %dma_wait3A_199 = tpu.memref_slice %arg5[%dma_wait3A_198] : memref<512xi32, #tpu.memory_space<vmem>> -> memref<32xi32, #tpu.memory_space<vmem>>
    %dma_wait3A_200 = arith.constant 0 : i32
    %dma_wait3A_201 = arith.constant 0 : i32
    %dma_wait3A_202 = tpu.memref_slice %arg2[%dma_wait3A_200, %dma_wait3A_201] : memref<100000x1024xf32, #tpu.memory_space<hbm>> -> memref<100000x1024xf32, #tpu.memory_space<hbm>>
    tpu.wait_indirect_dma semaphore(%arg9 : memref<!tpu.dma_semaphore, #tpu.memory_space<semaphore_mem>>) src(%dma_wait3A_202 : memref<100000x1024xf32, #tpu.memory_space<hbm>>) dst(%arg6 : memref<32x1024xf32, #tpu.memory_space<vmem>>)
    %add3A_203 = arith.constant 288 : i32
    %add3A_204 = arith.addi %mul3A_2, %add3A_203 : i32
    %dma_start3A_205 = arith.constant 0 : i32
    %dma_start3A_206 = tpu.memref_slice %arg4[%add3A_204, %dma_start3A_205] : memref<16384x1024xf32, #tpu.memory_space<hbm>> -> memref<32x1024xf32, #tpu.memory_space<hbm>>
    %dma_start3A_207 = arith.constant 0 : i32
    %dma_start3A_208 = tpu.memref_slice %arg4[%add3A_204, %dma_start3A_207] : memref<16384x1024xf32, #tpu.memory_space<hbm>> -> memref<32x1024xf32, #tpu.memory_space<hbm>>
    tpu.enqueue_dma source(%arg6 : memref<32x1024xf32, #tpu.memory_space<vmem>>) target(%dma_start3A_208 : memref<32x1024xf32, #tpu.memory_space<hbm>>) target_semaphore(%arg12 : memref<!tpu.dma_semaphore, #tpu.memory_space<semaphore_mem>>)
    %dma_wait3A_209 = arith.constant 0 : i32
    %dma_wait3A_210 = tpu.memref_slice %arg4[%add3A_204, %dma_wait3A_209] : memref<16384x1024xf32, #tpu.memory_space<hbm>> -> memref<32x1024xf32, #tpu.memory_space<hbm>>
    %dma_wait3A_211 = arith.constant 0 : i32
    %dma_wait3A_212 = tpu.memref_slice %arg4[%add3A_204, %dma_wait3A_211] : memref<16384x1024xf32, #tpu.memory_space<hbm>> -> memref<32x1024xf32, #tpu.memory_space<hbm>>
    tpu.wait_dma2 semaphore(%arg12 : memref<!tpu.dma_semaphore, #tpu.memory_space<semaphore_mem>>) src(%arg6 : memref<32x1024xf32, #tpu.memory_space<vmem>>) dst(%dma_wait3A_212 : memref<32x1024xf32, #tpu.memory_space<hbm>>)
    %dma_start3A_213 = arith.constant 384 : i32
    %dma_start3A_214 = tpu.memref_slice %arg5[%dma_start3A_213] : memref<512xi32, #tpu.memory_space<vmem>> -> memref<32xi32, #tpu.memory_space<vmem>>
    %dma_start3A_215 = arith.constant 0 : i32
    %dma_start3A_216 = arith.constant 0 : i32
    %dma_start3A_217 = tpu.memref_slice %arg2[%dma_start3A_215, %dma_start3A_216] : memref<100000x1024xf32, #tpu.memory_space<hbm>> -> memref<100000x1024xf32, #tpu.memory_space<hbm>>
    tpu.enqueue_indirect_dma source(%dma_start3A_217 : memref<100000x1024xf32, #tpu.memory_space<hbm>>) target(%arg6 : memref<32x1024xf32, #tpu.memory_space<vmem>>) offsets(%dma_start3A_214 : memref<32xi32, #tpu.memory_space<vmem>>) semaphore(%arg9 : memref<!tpu.dma_semaphore, #tpu.memory_space<semaphore_mem>>)
    %dma_wait3A_218 = arith.constant 320 : i32
    %dma_wait3A_219 = tpu.memref_slice %arg5[%dma_wait3A_218] : memref<512xi32, #tpu.memory_space<vmem>> -> memref<32xi32, #tpu.memory_space<vmem>>
    %dma_wait3A_220 = arith.constant 0 : i32
    %dma_wait3A_221 = arith.constant 0 : i32
    %dma_wait3A_222 = tpu.memref_slice %arg2[%dma_wait3A_220, %dma_wait3A_221] : memref<100000x1024xf32, #tpu.memory_space<hbm>> -> memref<100000x1024xf32, #tpu.memory_space<hbm>>
    tpu.wait_indirect_dma semaphore(%arg10 : memref<!tpu.dma_semaphore, #tpu.memory_space<semaphore_mem>>) src(%dma_wait3A_222 : memref<100000x1024xf32, #tpu.memory_space<hbm>>) dst(%arg7 : memref<32x1024xf32, #tpu.memory_space<vmem>>)
    %add3A_223 = arith.constant 320 : i32
    %add3A_224 = arith.addi %mul3A_2, %add3A_223 : i32
    %dma_start3A_225 = arith.constant 0 : i32
    %dma_start3A_226 = tpu.memref_slice %arg4[%add3A_224, %dma_start3A_225] : memref<16384x1024xf32, #tpu.memory_space<hbm>> -> memref<32x1024xf32, #tpu.memory_space<hbm>>
    %dma_start3A_227 = arith.constant 0 : i32
    %dma_start3A_228 = tpu.memref_slice %arg4[%add3A_224, %dma_start3A_227] : memref<16384x1024xf32, #tpu.memory_space<hbm>> -> memref<32x1024xf32, #tpu.memory_space<hbm>>
    tpu.enqueue_dma source(%arg7 : memref<32x1024xf32, #tpu.memory_space<vmem>>) target(%dma_start3A_228 : memref<32x1024xf32, #tpu.memory_space<hbm>>) target_semaphore(%arg13 : memref<!tpu.dma_semaphore, #tpu.memory_space<semaphore_mem>>)
    %dma_wait3A_229 = arith.constant 0 : i32
    %dma_wait3A_230 = tpu.memref_slice %arg4[%add3A_224, %dma_wait3A_229] : memref<16384x1024xf32, #tpu.memory_space<hbm>> -> memref<32x1024xf32, #tpu.memory_space<hbm>>
    %dma_wait3A_231 = arith.constant 0 : i32
    %dma_wait3A_232 = tpu.memref_slice %arg4[%add3A_224, %dma_wait3A_231] : memref<16384x1024xf32, #tpu.memory_space<hbm>> -> memref<32x1024xf32, #tpu.memory_space<hbm>>
    tpu.wait_dma2 semaphore(%arg13 : memref<!tpu.dma_semaphore, #tpu.memory_space<semaphore_mem>>) src(%arg7 : memref<32x1024xf32, #tpu.memory_space<vmem>>) dst(%dma_wait3A_232 : memref<32x1024xf32, #tpu.memory_space<hbm>>)
    %dma_start3A_233 = arith.constant 416 : i32
    %dma_start3A_234 = tpu.memref_slice %arg5[%dma_start3A_233] : memref<512xi32, #tpu.memory_space<vmem>> -> memref<32xi32, #tpu.memory_space<vmem>>
    %dma_start3A_235 = arith.constant 0 : i32
    %dma_start3A_236 = arith.constant 0 : i32
    %dma_start3A_237 = tpu.memref_slice %arg2[%dma_start3A_235, %dma_start3A_236] : memref<100000x1024xf32, #tpu.memory_space<hbm>> -> memref<100000x1024xf32, #tpu.memory_space<hbm>>
    tpu.enqueue_indirect_dma source(%dma_start3A_237 : memref<100000x1024xf32, #tpu.memory_space<hbm>>) target(%arg7 : memref<32x1024xf32, #tpu.memory_space<vmem>>) offsets(%dma_start3A_234 : memref<32xi32, #tpu.memory_space<vmem>>) semaphore(%arg10 : memref<!tpu.dma_semaphore, #tpu.memory_space<semaphore_mem>>)
    %dma_wait3A_238 = arith.constant 352 : i32
    %dma_wait3A_239 = tpu.memref_slice %arg5[%dma_wait3A_238] : memref<512xi32, #tpu.memory_space<vmem>> -> memref<32xi32, #tpu.memory_space<vmem>>
    %dma_wait3A_240 = arith.constant 0 : i32
    %dma_wait3A_241 = arith.constant 0 : i32
    %dma_wait3A_242 = tpu.memref_slice %arg2[%dma_wait3A_240, %dma_wait3A_241] : memref<100000x1024xf32, #tpu.memory_space<hbm>> -> memref<100000x1024xf32, #tpu.memory_space<hbm>>
    tpu.wait_indirect_dma semaphore(%arg11 : memref<!tpu.dma_semaphore, #tpu.memory_space<semaphore_mem>>) src(%dma_wait3A_242 : memref<100000x1024xf32, #tpu.memory_space<hbm>>) dst(%arg8 : memref<32x1024xf32, #tpu.memory_space<vmem>>)
    %add3A_243 = arith.constant 352 : i32
    %add3A_244 = arith.addi %mul3A_2, %add3A_243 : i32
    %dma_start3A_245 = arith.constant 0 : i32
    %dma_start3A_246 = tpu.memref_slice %arg4[%add3A_244, %dma_start3A_245] : memref<16384x1024xf32, #tpu.memory_space<hbm>> -> memref<32x1024xf32, #tpu.memory_space<hbm>>
    %dma_start3A_247 = arith.constant 0 : i32
    %dma_start3A_248 = tpu.memref_slice %arg4[%add3A_244, %dma_start3A_247] : memref<16384x1024xf32, #tpu.memory_space<hbm>> -> memref<32x1024xf32, #tpu.memory_space<hbm>>
    tpu.enqueue_dma source(%arg8 : memref<32x1024xf32, #tpu.memory_space<vmem>>) target(%dma_start3A_248 : memref<32x1024xf32, #tpu.memory_space<hbm>>) target_semaphore(%arg14 : memref<!tpu.dma_semaphore, #tpu.memory_space<semaphore_mem>>)
    %dma_wait3A_249 = arith.constant 0 : i32
    %dma_wait3A_250 = tpu.memref_slice %arg4[%add3A_244, %dma_wait3A_249] : memref<16384x1024xf32, #tpu.memory_space<hbm>> -> memref<32x1024xf32, #tpu.memory_space<hbm>>
    %dma_wait3A_251 = arith.constant 0 : i32
    %dma_wait3A_252 = tpu.memref_slice %arg4[%add3A_244, %dma_wait3A_251] : memref<16384x1024xf32, #tpu.memory_space<hbm>> -> memref<32x1024xf32, #tpu.memory_space<hbm>>
    tpu.wait_dma2 semaphore(%arg14 : memref<!tpu.dma_semaphore, #tpu.memory_space<semaphore_mem>>) src(%arg8 : memref<32x1024xf32, #tpu.memory_space<vmem>>) dst(%dma_wait3A_252 : memref<32x1024xf32, #tpu.memory_space<hbm>>)
    %dma_start3A_253 = arith.constant 448 : i32
    %dma_start3A_254 = tpu.memref_slice %arg5[%dma_start3A_253] : memref<512xi32, #tpu.memory_space<vmem>> -> memref<32xi32, #tpu.memory_space<vmem>>
    %dma_start3A_255 = arith.constant 0 : i32
    %dma_start3A_256 = arith.constant 0 : i32
    %dma_start3A_257 = tpu.memref_slice %arg2[%dma_start3A_255, %dma_start3A_256] : memref<100000x1024xf32, #tpu.memory_space<hbm>> -> memref<100000x1024xf32, #tpu.memory_space<hbm>>
    tpu.enqueue_indirect_dma source(%dma_start3A_257 : memref<100000x1024xf32, #tpu.memory_space<hbm>>) target(%arg8 : memref<32x1024xf32, #tpu.memory_space<vmem>>) offsets(%dma_start3A_254 : memref<32xi32, #tpu.memory_space<vmem>>) semaphore(%arg11 : memref<!tpu.dma_semaphore, #tpu.memory_space<semaphore_mem>>)
    %dma_wait3A_258 = arith.constant 384 : i32
    %dma_wait3A_259 = tpu.memref_slice %arg5[%dma_wait3A_258] : memref<512xi32, #tpu.memory_space<vmem>> -> memref<32xi32, #tpu.memory_space<vmem>>
    %dma_wait3A_260 = arith.constant 0 : i32
    %dma_wait3A_261 = arith.constant 0 : i32
    %dma_wait3A_262 = tpu.memref_slice %arg2[%dma_wait3A_260, %dma_wait3A_261] : memref<100000x1024xf32, #tpu.memory_space<hbm>> -> memref<100000x1024xf32, #tpu.memory_space<hbm>>
    tpu.wait_indirect_dma semaphore(%arg9 : memref<!tpu.dma_semaphore, #tpu.memory_space<semaphore_mem>>) src(%dma_wait3A_262 : memref<100000x1024xf32, #tpu.memory_space<hbm>>) dst(%arg6 : memref<32x1024xf32, #tpu.memory_space<vmem>>)
    %add3A_263 = arith.constant 384 : i32
    %add3A_264 = arith.addi %mul3A_2, %add3A_263 : i32
    %dma_start3A_265 = arith.constant 0 : i32
    %dma_start3A_266 = tpu.memref_slice %arg4[%add3A_264, %dma_start3A_265] : memref<16384x1024xf32, #tpu.memory_space<hbm>> -> memref<32x1024xf32, #tpu.memory_space<hbm>>
    %dma_start3A_267 = arith.constant 0 : i32
    %dma_start3A_268 = tpu.memref_slice %arg4[%add3A_264, %dma_start3A_267] : memref<16384x1024xf32, #tpu.memory_space<hbm>> -> memref<32x1024xf32, #tpu.memory_space<hbm>>
    tpu.enqueue_dma source(%arg6 : memref<32x1024xf32, #tpu.memory_space<vmem>>) target(%dma_start3A_268 : memref<32x1024xf32, #tpu.memory_space<hbm>>) target_semaphore(%arg12 : memref<!tpu.dma_semaphore, #tpu.memory_space<semaphore_mem>>)
    %dma_wait3A_269 = arith.constant 0 : i32
    %dma_wait3A_270 = tpu.memref_slice %arg4[%add3A_264, %dma_wait3A_269] : memref<16384x1024xf32, #tpu.memory_space<hbm>> -> memref<32x1024xf32, #tpu.memory_space<hbm>>
    %dma_wait3A_271 = arith.constant 0 : i32
    %dma_wait3A_272 = tpu.memref_slice %arg4[%add3A_264, %dma_wait3A_271] : memref<16384x1024xf32, #tpu.memory_space<hbm>> -> memref<32x1024xf32, #tpu.memory_space<hbm>>
    tpu.wait_dma2 semaphore(%arg12 : memref<!tpu.dma_semaphore, #tpu.memory_space<semaphore_mem>>) src(%arg6 : memref<32x1024xf32, #tpu.memory_space<vmem>>) dst(%dma_wait3A_272 : memref<32x1024xf32, #tpu.memory_space<hbm>>)
    %dma_start3A_273 = arith.constant 480 : i32
    %dma_start3A_274 = tpu.memref_slice %arg5[%dma_start3A_273] : memref<512xi32, #tpu.memory_space<vmem>> -> memref<32xi32, #tpu.memory_space<vmem>>
    %dma_start3A_275 = arith.constant 0 : i32
    %dma_start3A_276 = arith.constant 0 : i32
    %dma_start3A_277 = tpu.memref_slice %arg2[%dma_start3A_275, %dma_start3A_276] : memref<100000x1024xf32, #tpu.memory_space<hbm>> -> memref<100000x1024xf32, #tpu.memory_space<hbm>>
    tpu.enqueue_indirect_dma source(%dma_start3A_277 : memref<100000x1024xf32, #tpu.memory_space<hbm>>) target(%arg6 : memref<32x1024xf32, #tpu.memory_space<vmem>>) offsets(%dma_start3A_274 : memref<32xi32, #tpu.memory_space<vmem>>) semaphore(%arg9 : memref<!tpu.dma_semaphore, #tpu.memory_space<semaphore_mem>>)
    %dma_wait3A_278 = arith.constant 416 : i32
    %dma_wait3A_279 = tpu.memref_slice %arg5[%dma_wait3A_278] : memref<512xi32, #tpu.memory_space<vmem>> -> memref<32xi32, #tpu.memory_space<vmem>>
    %dma_wait3A_280 = arith.constant 0 : i32
    %dma_wait3A_281 = arith.constant 0 : i32
    %dma_wait3A_282 = tpu.memref_slice %arg2[%dma_wait3A_280, %dma_wait3A_281] : memref<100000x1024xf32, #tpu.memory_space<hbm>> -> memref<100000x1024xf32, #tpu.memory_space<hbm>>
    tpu.wait_indirect_dma semaphore(%arg10 : memref<!tpu.dma_semaphore, #tpu.memory_space<semaphore_mem>>) src(%dma_wait3A_282 : memref<100000x1024xf32, #tpu.memory_space<hbm>>) dst(%arg7 : memref<32x1024xf32, #tpu.memory_space<vmem>>)
    %add3A_283 = arith.constant 416 : i32
    %add3A_284 = arith.addi %mul3A_2, %add3A_283 : i32
    %dma_start3A_285 = arith.constant 0 : i32
    %dma_start3A_286 = tpu.memref_slice %arg4[%add3A_284, %dma_start3A_285] : memref<16384x1024xf32, #tpu.memory_space<hbm>> -> memref<32x1024xf32, #tpu.memory_space<hbm>>
    %dma_start3A_287 = arith.constant 0 : i32
    %dma_start3A_288 = tpu.memref_slice %arg4[%add3A_284, %dma_start3A_287] : memref<16384x1024xf32, #tpu.memory_space<hbm>> -> memref<32x1024xf32, #tpu.memory_space<hbm>>
    tpu.enqueue_dma source(%arg7 : memref<32x1024xf32, #tpu.memory_space<vmem>>) target(%dma_start3A_288 : memref<32x1024xf32, #tpu.memory_space<hbm>>) target_semaphore(%arg13 : memref<!tpu.dma_semaphore, #tpu.memory_space<semaphore_mem>>)
    %dma_wait3A_289 = arith.constant 448 : i32
    %dma_wait3A_290 = tpu.memref_slice %arg5[%dma_wait3A_289] : memref<512xi32, #tpu.memory_space<vmem>> -> memref<32xi32, #tpu.memory_space<vmem>>
    %dma_wait3A_291 = arith.constant 0 : i32
    %dma_wait3A_292 = arith.constant 0 : i32
    %dma_wait3A_293 = tpu.memref_slice %arg2[%dma_wait3A_291, %dma_wait3A_292] : memref<100000x1024xf32, #tpu.memory_space<hbm>> -> memref<100000x1024xf32, #tpu.memory_space<hbm>>
    tpu.wait_indirect_dma semaphore(%arg11 : memref<!tpu.dma_semaphore, #tpu.memory_space<semaphore_mem>>) src(%dma_wait3A_293 : memref<100000x1024xf32, #tpu.memory_space<hbm>>) dst(%arg8 : memref<32x1024xf32, #tpu.memory_space<vmem>>)
    %add3A_294 = arith.constant 448 : i32
    %add3A_295 = arith.addi %mul3A_2, %add3A_294 : i32
    %dma_start3A_296 = arith.constant 0 : i32
    %dma_start3A_297 = tpu.memref_slice %arg4[%add3A_295, %dma_start3A_296] : memref<16384x1024xf32, #tpu.memory_space<hbm>> -> memref<32x1024xf32, #tpu.memory_space<hbm>>
    %dma_start3A_298 = arith.constant 0 : i32
    %dma_start3A_299 = tpu.memref_slice %arg4[%add3A_295, %dma_start3A_298] : memref<16384x1024xf32, #tpu.memory_space<hbm>> -> memref<32x1024xf32, #tpu.memory_space<hbm>>
    tpu.enqueue_dma source(%arg8 : memref<32x1024xf32, #tpu.memory_space<vmem>>) target(%dma_start3A_299 : memref<32x1024xf32, #tpu.memory_space<hbm>>) target_semaphore(%arg14 : memref<!tpu.dma_semaphore, #tpu.memory_space<semaphore_mem>>)
    %dma_wait3A_300 = arith.constant 480 : i32
    %dma_wait3A_301 = tpu.memref_slice %arg5[%dma_wait3A_300] : memref<512xi32, #tpu.memory_space<vmem>> -> memref<32xi32, #tpu.memory_space<vmem>>
    %dma_wait3A_302 = arith.constant 0 : i32
    %dma_wait3A_303 = arith.constant 0 : i32
    %dma_wait3A_304 = tpu.memref_slice %arg2[%dma_wait3A_302, %dma_wait3A_303] : memref<100000x1024xf32, #tpu.memory_space<hbm>> -> memref<100000x1024xf32, #tpu.memory_space<hbm>>
    tpu.wait_indirect_dma semaphore(%arg9 : memref<!tpu.dma_semaphore, #tpu.memory_space<semaphore_mem>>) src(%dma_wait3A_304 : memref<100000x1024xf32, #tpu.memory_space<hbm>>) dst(%arg6 : memref<32x1024xf32, #tpu.memory_space<vmem>>)
    %add3A_305 = arith.constant 480 : i32
    %add3A_306 = arith.addi %mul3A_2, %add3A_305 : i32
    %dma_start3A_307 = arith.constant 0 : i32
    %dma_start3A_308 = tpu.memref_slice %arg4[%add3A_306, %dma_start3A_307] : memref<16384x1024xf32, #tpu.memory_space<hbm>> -> memref<32x1024xf32, #tpu.memory_space<hbm>>
    %dma_start3A_309 = arith.constant 0 : i32
    %dma_start3A_310 = tpu.memref_slice %arg4[%add3A_306, %dma_start3A_309] : memref<16384x1024xf32, #tpu.memory_space<hbm>> -> memref<32x1024xf32, #tpu.memory_space<hbm>>
    tpu.enqueue_dma source(%arg6 : memref<32x1024xf32, #tpu.memory_space<vmem>>) target(%dma_start3A_310 : memref<32x1024xf32, #tpu.memory_space<hbm>>) target_semaphore(%arg12 : memref<!tpu.dma_semaphore, #tpu.memory_space<semaphore_mem>>)
    %dma_wait3A_311 = arith.constant 0 : i32
    %dma_wait3A_312 = tpu.memref_slice %arg4[%add3A_306, %dma_wait3A_311] : memref<16384x1024xf32, #tpu.memory_space<hbm>> -> memref<32x1024xf32, #tpu.memory_space<hbm>>
    %dma_wait3A_313 = arith.constant 0 : i32
    %dma_wait3A_314 = tpu.memref_slice %arg4[%add3A_306, %dma_wait3A_313] : memref<16384x1024xf32, #tpu.memory_space<hbm>> -> memref<32x1024xf32, #tpu.memory_space<hbm>>
    tpu.wait_dma2 semaphore(%arg12 : memref<!tpu.dma_semaphore, #tpu.memory_space<semaphore_mem>>) src(%arg6 : memref<32x1024xf32, #tpu.memory_space<vmem>>) dst(%dma_wait3A_314 : memref<32x1024xf32, #tpu.memory_space<hbm>>)
    %dma_wait3A_315 = arith.constant 0 : i32
    %dma_wait3A_316 = tpu.memref_slice %arg4[%add3A_284, %dma_wait3A_315] : memref<16384x1024xf32, #tpu.memory_space<hbm>> -> memref<32x1024xf32, #tpu.memory_space<hbm>>
    %dma_wait3A_317 = arith.constant 0 : i32
    %dma_wait3A_318 = tpu.memref_slice %arg4[%add3A_284, %dma_wait3A_317] : memref<16384x1024xf32, #tpu.memory_space<hbm>> -> memref<32x1024xf32, #tpu.memory_space<hbm>>
    tpu.wait_dma2 semaphore(%arg13 : memref<!tpu.dma_semaphore, #tpu.memory_space<semaphore_mem>>) src(%arg7 : memref<32x1024xf32, #tpu.memory_space<vmem>>) dst(%dma_wait3A_318 : memref<32x1024xf32, #tpu.memory_space<hbm>>)
    %dma_wait3A_319 = arith.constant 0 : i32
    %dma_wait3A_320 = tpu.memref_slice %arg4[%add3A_295, %dma_wait3A_319] : memref<16384x1024xf32, #tpu.memory_space<hbm>> -> memref<32x1024xf32, #tpu.memory_space<hbm>>
    %dma_wait3A_321 = arith.constant 0 : i32
    %dma_wait3A_322 = tpu.memref_slice %arg4[%add3A_295, %dma_wait3A_321] : memref<16384x1024xf32, #tpu.memory_space<hbm>> -> memref<32x1024xf32, #tpu.memory_space<hbm>>
    tpu.wait_dma2 semaphore(%arg14 : memref<!tpu.dma_semaphore, #tpu.memory_space<semaphore_mem>>) src(%arg8 : memref<32x1024xf32, #tpu.memory_space<vmem>>) dst(%dma_wait3A_322 : memref<32x1024xf32, #tpu.memory_space<hbm>>)
    return
  }
}

</mosaic_0001>

<sc_bundles>
// kernel: kernel.3.cloned.1.call-start
scs
__scs_entry_jumppad:
0x0: {  	(pc) =	sbr.rel $0x88, $3  }
0x1: {  	(tag) =	ssettag $0x0;
	lr =	simm.s32 $0x1  }
0x2: {  	[smem:$0x3F9F] =	sst lr;
	_ =	strace $0xD0000000  }
0x3: {  	_ = 	snop  }
0x4: {  	_ = 	snop  }
0x5: {  	_ = 	snop  }
0x6: {  	_ = 	snop  }
0x7: {  	_ = 	snop  }
__scs_overlays_trampoline_lowered:
0x8: {  	[smem:$0x3FAE] =	sst s0  }
0x9: {  	[smem:$0x3FAF] =	sst s1  }
0xa: {  	[smem:$0x3FB0] =	sst s2  }
0xb: {  	[smem:$0x3FB1] =	sst s3  }
0xc: {  	[smem:$0x3FB2] =	sst s4  }
0xd: {  	[smem:$0x3FB3] =	sst s5  }
0xe: {  	[smem:$0x3FB4] =	sst s6  }
0xf: {  	[smem:$0x3FB5] =	sst s7  }
0x10: {  	[smem:$0x3FB6] =	sst s8  }
0x11: {  	[smem:$0x3FB7] =	sst s9;
	s0 =	simm.s32 @!p0 $0x0  }
0x12: {  	s1 =	sld [smem:$0x3F9D];
	s0 =	simm.s32 @p0 $0x1  }
0x13: {  	[smem:$0x3FB8] =	sst s0;
	s0 =	simm.s32 @!p1 $0x0  }
0x14: {  	s2 =	sld [smem:$0x3F9C];
	s0 =	simm.s32 @p1 $0x1  }
0x15: {  	[smem:$0x3FB9] =	sst s0;
	s0 =	simm.s32 @!p2 $0x0  }
0x16: {  	s3 =	sld [smem:$0x3FDB];
	s0 =	simm.s32 @p2 $0x1  }
0x17: {  	s4 =	simm.s32 $0x1BF5;
	[smem:$0x3FBB] =	sst s0  }
0x18: {  	s0 =	sld [smem:$0x3F9E];
	_ =	swait.ge [sflag:s4], $0x0  }
0x19: {  	s7 =	sld [smem:$0x3F9F]  }
0x1a: {  	s8 =	sadd.s32 $0xFFFFE003, lr  }
0x1b: {  	s9 =	sadd.s32 $0xFFFFFEF7, lr;
	s5 =	simm.s32 $0xFFFFFFFF;
	p2 =	slt.u32 s8, $0xFFFFF086  }
0x1c: {  	p1 =	slt.u32 s9, $0xF7A;
	s5 =	simm.s32 @!p2 $0x0  }
0x1d: {  	s5 =	simm.s32 @p1 $0x1;
	p0 =	seq.s32 s7, s2  }
0x1e: {  	s7 =	smul.u32 @!p0 $0xF7A, s2;
	p2 =	seq.s32 @!p0 s5, $0x0  }
0x1f: {  	s9 =	smul.u32 $0xF7A, s1;
	s8 =	simm.s32 @!p0 $0x1BF5;
	p2 =	por !p2, p0  }
0x20: {  	[sflag:s8] =	ssyncset.s32 @!p0 $0xFFFFF086;
	s6 =	sadd.s32 @!p0 s3, s7;
	s7 =	simm.s32 @!p0 $0x108  }
0x21: {  	s3 =	sadd.s32 s3, s9;
	s6 =	sadd.s32 @!p0 $0x88, s6;
	s7 =	simm.s32 @p2 $0x1082  }
0x22: {  	[simem:s7], [sflag:s8] =	dma.local @!p0 [hbm:s6], $0xF7A  }
0x23: {  	s9 =	sor.u32 $0xD0000000, s2;
	s6 =	simm.s32 $0x108;
	_ =	swait.ge @!p0 [sflag:s8], $0x0  }
0x24: {  	s3 =	sadd.s32 $0x88, s3;
	s6 =	simm.s32 @!p1 $0x1082;
	[sflag:s4] =	ssyncset.s32 $0xFFFFF086  }
0x25: {  	[simem:s6], [sflag:s4] =	dma.local [hbm:s3], $0xF7A  }
0x26: {  	[smem:$0x3F9F] =	sst s1;
	(tag) =	ssettag s2;
	_ =	strace s9  }
0x27: {  	s1 =	sld [smem:$0x3FAF]  }
0x28: {  	s2 =	sld [smem:$0x3FB0]  }
0x29: {  	s4 =	sld [smem:$0x3FB2]  }
0x2a: {  	p0 =	seq.s32 s5, $0x0;
	s5 =	sld [smem:$0x3FB3]  }
0x2b: {  	s6 =	sld [smem:$0x3FB4]  }
0x2c: {  	s7 =	sld [smem:$0x3FB5]  }
0x2d: {  	s3 =	simm.s32 $0x108;
	s8 =	sld [smem:$0x3FB6]  }
0x2e: {  	s3 =	simm.s32 @!p0 $0x1082;
	s9 =	sld [smem:$0x3FB7]  }
0x2f: {  	lr =	sadd.s32 s0, s3;
	s0 =	sld [smem:$0x3FAE]  }
0x30: {  	s3 =	sld [smem:$0x3FB1]  }
0x31: {  	[smem:$0x3FBA] =	sst s10  }
0x32: {  	s10 =	sld [smem:$0x3FB8];
	_ =	sdelay $0x3  }
0x33: {  	p0 =	seq.s32 s10, $0x1;
	s10 =	sld [smem:$0x3FBA];
	_ =	sdelay $0x3  }
0x34: {  	[smem:$0x3FBA] =	sst s10  }
0x35: {  	s10 =	sld [smem:$0x3FB9];
	_ =	sdelay $0x3  }
0x36: {  	p1 =	seq.s32 s10, $0x1;
	s10 =	sld [smem:$0x3FBA];
	_ =	sdelay $0x3  }
0x37: {  	[smem:$0x3FBA] =	sst s10  }
0x38: {  	s10 =	sld [smem:$0x3FBB]  }
0x39: {  	_ = 	snop;
	(pc) =	sbr.ind lr, $3  }
0x3a: {  	_ = 	snop  }
0x3b: {  	_ = 	snop  }
0x3c: {  	p2 =	seq.s32 s10, $0x1;
	s10 =	sld [smem:$0x3FBA]  }
0x3d: {  	_ =	shalt  }
0x3e: {  	_ =	shalt  }
0x3f: {  	_ =	shalt  }
0x40: {  	_ =	shalt  }
0x41: {  	_ =	shalt  }
0x42: {  	_ =	shalt  }
0x43: {  	_ =	shalt  }
0x44: {  	_ =	shalt  }
0x45: {  	_ =	shalt  }
0x46: {  	_ =	shalt  }
0x47: {  	_ =	shalt  }
0x48: {  	_ =	shalt  }
0x49: {  	_ =	shalt  }
0x4a: {  	_ =	shalt  }
0x4b: {  	_ =	shalt  }
0x4c: {  	_ =	shalt  }
0x4d: {  	_ =	shalt  }
0x4e: {  	_ =	shalt  }
0x4f: {  	_ =	shalt  }
0x50: {  	_ =	shalt  }
0x51: {  	_ =	shalt  }
0x52: {  	_ =	shalt  }
0x53: {  	_ =	shalt  }
0x54: {  	_ =	shalt  }
0x55: {  	_ =	shalt  }
0x56: {  	_ =	shalt  }
0x57: {  	_ =	shalt  }
0x58: {  	_ =	shalt  }
0x59: {  	_ =	shalt  }
0x5a: {  	_ =	shalt  }
0x5b: {  	_ =	shalt  }
0x5c: {  	_ =	shalt  }
0x5d: {  	_ =	shalt  }
0x5e: {  	_ =	shalt  }
0x5f: {  	_ =	shalt  }
0x60: {  	_ =	shalt  }
0x61: {  	_ =	shalt  }
0x62: {  	_ =	shalt  }
0x63: {  	_ =	shalt  }
0x64: {  	_ =	shalt  }
0x65: {  	_ =	shalt  }
0x66: {  	_ =	shalt  }
0x67: {  	_ =	shalt  }
0x68: {  	_ =	shalt  }
0x69: {  	_ =	shalt  }
0x6a: {  	_ =	shalt  }
0x6b: {  	_ =	shalt  }
0x6c: {  	_ =	shalt  }
0x6d: {  	_ =	shalt  }
0x6e: {  	_ =	shalt  }
0x6f: {  	_ =	shalt  }
0x70: {  	_ =	shalt  }
0x71: {  	_ =	shalt  }
0x72: {  	_ =	shalt  }
0x73: {  	_ =	shalt  }
0x74: {  	_ =	shalt  }
0x75: {  	_ =	shalt  }
0x76: {  	_ =	shalt  }
0x77: {  	_ =	shalt  }
0x78: {  	_ =	shalt  }
0x79: {  	_ =	shalt  }
0x7a: {  	_ =	shalt  }
0x7b: {  	_ =	shalt  }
0x7c: {  	_ =	shalt  }
0x7d: {  	_ =	shalt  }
0x7e: {  	_ =	shalt  }
0x7f: {  	_ =	shalt  }
0x80: {  	_ =	shalt  }
0x81: {  	_ =	shalt  }
0x82: {  	_ =	shalt  }
0x83: {  	_ =	shalt  }
0x84: {  	_ =	shalt  }
0x85: {  	_ =	shalt  }
0x86: {  	_ =	shalt  }
0x87: {  	_ =	shalt  }
.Lfunc_end0:
.L_simem_size_0:
called_computation_lowered:
.L_overlay_start_0:
0x88: {  	s2 =	sld [smem:$0x3FD9]  }
0x89: {  	s3 =	sld [smem:$0x3FFE];
	_ =	sdelay $0x1  }
0x8a: {  	s1 =	srdreg.scid  }
0x8b: {  	s0 =	sand.u32 $0x1, s1  }
0x8c: {  	s17 =	sshll.u32 s0, $0xA;
	s2 =	sadd.s32 s3, s2  }
0x8d: {  	s2 =	sadd.s32 s2, s17  }
0x8e: {  	[smem:$0x3FC6] =	sst s2  }
0x8f: {  	_ = 	snop  }
0x90: {  	s2 =	sld [smem:$0x3FC8]  }
0x91: {  	s18 =	sld [smem:$0x3FD0];
	(tm) =	ssettm $0x1  }
0x92: {  	s4 =	sld [smem:$0x3FFB];
	_ =	sdelay $0x3  }
0x93: {  	_ =	strace s4  }
0x94: {  	s4 =	sld [smem:$0x3FFC];
	_ =	sdelay $0x3  }
0x95: {  	_ =	strace s4  }
0x96: {  	s4 =	sld [smem:$0x3FFD];
	_ =	sdelay $0x3  }
0x97: {  	_ =	strace s4  }
0x98: {  	_ =	strace $0x8FFFFFFF  }
0x99: {  	s19 =	sld [smem:$0x3FDB];
	_ =	sdelay $0x1  }
0x9a: {  	s5 =	simm.s32 $_scs_section_size  }
0x9b: {  	s6 =	simm.s32 $_size__tile_overlayer_lowered;
	s7 =	simm.s32 $_tile_overlayer_lowered  }
0x9c: {  	s22 =	simm.s32 $0x1BFF;
	s21 =	sshll.u32 s7, $0x1;
	s4 =	sadd.s32 s5, s19  }
0x9d: {  	s8 =	simm.s32 $0x0;
	s20 =	sshll.u32 s6, $0x1;
	s6 =	sadd.s32 s21, s4  }
0x9e: {  	[timem:s8], [sflag:s22] =	dma.local [hbm:s6], s20  }
0x9f: {  	_ =	swait.ge [sflag:s22], s20  }
0xa0: {  	s5 =	ssub.s32 $0x0, s20;
	[sflag:s22] =	ssyncset.done $0x0  }
0xa1: {  	[sflag:s22] =	ssyncadd.s32 s5;
	_ =	sdelay $0x1  }
0xa2: {  	s23 =	simm.s32 $0x1B8B  }
0xa3: {  	_ =	swait.ge [sflag:s23], $0x1  }
0xa4: {  	[sflag:s23] =	ssyncset.done $0x0  }
0xa5: {  	s25 =	simm.s32 $0x1B8E;
	s24 =	sld [smem:$0x3FFE];
	[sflag:s23] =	ssyncadd.s32 $0xFFFFFFFF  }
0xa6: {  	s26 =	simm.s32 $execute0_lowered;
	[smem:$0x3FD2] =	sst s25  }
0xa7: {  	s6 =	sshll.u32 s26, $0x1;
	_ =	strace $0x80000046;
	[dreg:$0x1] =	wrdreg $0xFFFFFFFF  }
0xa8: {  	s28 =	simm.s32 $_size_execute0_lowered;
	s4 =	sadd.s32 s4, s6;
	[dreg:$0x0] =	wrdreg $0x0  }
0xa9: {  	s6 =	sshll.u32 s28, $0x1;
	[dreg:$0x2] =	wrdreg s4  }
0xaa: {  	[dreg:$0x3] =	wrdreg s6  }
0xab: {  	[dreg:$0x4] =	wrdreg $0xC0  }
0xac: {  	_ =	task [dreg:s8], $0x5FFFF  }
0xad: {  	[dreg:$0x1] =	wrdreg $0xFFFFFFFF  }
0xae: {  	[dreg:$0x0] =	wrdreg $0x60  }
0xaf: {  	[dreg:$0x2] =	wrdreg s2  }
0xb0: {  	[dreg:$0x3] =	wrdreg s24  }
0xb1: {  	[dreg:$0x4] =	wrdreg s18  }
0xb2: {  	[dreg:$0x5] =	wrdreg $0x9  }
0xb3: {  	_ =	task.clear_ibuf [dreg:s8], $0x6FFFF;
	_ =	strace $0x90000046  }
0xb4: {  	s29 =	simm.s32 $0x9;
	_ =	strace $0x80000048  }
0xb5: {  	_ =	swait.ge [sflag:s29], $0x1  }
0xb6: {  	[sflag:s29] =	ssyncadd.s32 $0xFFFFFFFF  }
0xb7: {  	_ =	strace $0x90000048  }
0xb8: {  	_ =	sfence  }
0xb9: {  	s30 =	sld [smem:$0x0];
	_ =	sdelay $0x2  }
0xba: {  	s31 =	sshll.u32 s1, $0xD;
	s1 =	sshrl.u32 s1, $0x2  }
0xbb: {  	s3 =	sand.u32 $0x4000, s31;
	s1 =	sadd.s32 s1, s30  }
0xbc: {  	s0 =	sor.u32 s3, s0;
	s1 =	sshll.u32 s1, $0x11  }
0xbd: {  	s0 =	sor.u32 s1, s0  }
0xbe: {  	s0 =	sadd.s32 $0x8F2B, s0  }
0xbf: {  	[sflag:s0] =	ssyncadd.remote.s32 $0x1  }
0xc0: {  	_ =	sfence.sel $0xFFFF  }
0xc1: {  	[dreg:$0x0] =	wrdreg $0xFFFFFFFF;
	(pc) =	sbr.abs _section_cstart, $3  }
0xc2: {  	[dreg:$0x1] =	wrdreg $0xFFFFFFFF  }
0xc3: {  	_ =	task.clear_ibuf [dreg:s8], $0x2FFFF;
	_ =	strace $0x9FFFFFFF  }
0xc4: {  	(tm) =	ssettm $0x7FFFFFFF  }
0xc5: {  	_ =	shalt  }
tec
execute0_lowered:
.L_overlay_start_1:
0x0: {  	(tag) =	ssettag $0x1  }
0x1: {  	s1 =	rddreg [dreg:$0x0]  }
0x2: {  	s0 =	srdreg.scid;
	s2 =	rddreg [dreg:$0x1]  }
0x3: {  	s3 =	stileid.u32;
	s4 =	rddreg [dreg:$0x2];
	s0 =	sand.u32 $0x1, s0  }
0x4: {  	s5 =	sshll.u32 s3, $0xA;
	s3 =	simm.s32 $0x0;
	s6 =	sshll.u32 s0, $0x9  }
0x5: {  	[smem:$0x7FF] =	sst s3;
	s5 =	sor.u32 s6, s5  }
0x6: {  	s2 =	sadd.s32 $0x400, s2;
	_ =	strace $0x80000047;
	s6 =	sshrl.u32 s5, $0x3  }
0x7: {  	s7 =	sor.u32 $0x20, s5;
	s5 =	sshll.u32 s5, $0x7;
	s6 =	sadd.s32 s2, s6  }
0x8: {  	s26 =	sshrl.u32 s7, $0x3;
	s9 =	sadd.s32 s4, s5;
	[dreg:$0x4] =	wrdreg s6  }
0x9: {  	s8 =	sshll.u32 s7, $0x7;
	s2 =	sadd.s32 s2, s26;
	[dreg:$0x16] =	wrdreg s9  }
0xa: {  	s10 =	sadd.s32 s4, s8;
	[dreg:$0x5] =	wrdreg s2  }
0xb: {  	s11 =	sadd.s32 $0x2000, s9;
	[dreg:$0x6] =	wrdreg s10  }
0xc: {  	s28 =	simm.s32 $0x2;
	s12 =	sadd.s32 $0x3000, s9;
	[dreg:$0x7] =	wrdreg s11  }
0xd: {  	s30 =	simm.s32 $0x5;
	s13 =	sadd.s32 $0x4000, s9;
	[dreg:$0x8] =	wrdreg s12  }
0xe: {  	s31 =	simm.s32 $0x3;
	s14 =	sadd.s32 $0x5000, s9;
	[dreg:$0x9] =	wrdreg s13  }
0xf: {  	s29 =	simm.s32 $0x8200;
	s15 =	sadd.s32 $0x6000, s9;
	[dreg:$0xa] =	wrdreg s14  }
0x10: {  	s0 =	ssub.s32 $0x2, s0;
	s16 =	sadd.s32 $0x7000, s9;
	[dreg:$0xb] =	wrdreg s15  }
0x11: {  	s21 =	sshrl.u32 s0, $0x1;
	s17 =	sadd.s32 $0x8000, s9;
	[dreg:$0xc] =	wrdreg s16  }
0x12: {  	s0 =	ssub.s32 s0, s21;
	s18 =	sadd.s32 $0x9000, s9;
	[dreg:$0xd] =	wrdreg s17  }
0x13: {  	s5 =	sadd.s32 $0x100, s1;
	s19 =	sadd.s32 $0xA000, s9;
	[dreg:$0xe] =	wrdreg s18  }
0x14: {  	s7 =	sadd.s32 $0x300, s1;
	s20 =	sadd.s32 $0xB000, s9;
	[dreg:$0xf] =	wrdreg s19  }
0x15: {  	s22 =	sadd.s32 $0xC000, s9;
	s23 =	sadd.s32 $0xD000, s9;
	[dreg:$0x10] =	wrdreg s20  }
0x16: {  	s24 =	sadd.s32 $0xE000, s9;
	s6 =	sadd.s32 $0x200, s1;
	[dreg:$0x11] =	wrdreg s22  }
0x17: {  	s25 =	sadd.s32 $0xF000, s9;
	s8 =	smax.u32 s0, $0x1;
	[dreg:$0x12] =	wrdreg s23  }
0x18: {  	v2 =	vlaneseq.u32;
	s26 =	simm.s32 $0x20;
	s0 =	simm.s32 $0x1;
	[dreg:$0x13] =	wrdreg s24  }
0x19: {  	vm0 =	vmmov $0xffff;
	v1 =	vshrl.u32 v2, $0x3;
	s4 =	simm.s32 $0x4;
	[dreg:$0x14] =	wrdreg s25;
	s23 =	simm.s32 $0x200  }
0x1a: {  	v0 =	vand.u32 $0x7, v2;
	v2 =	vor.u32 $0x8, v2;
	v1 =	vmul.u32 $0x8, v1;
	[dreg:$0x15] =	wrdreg s26;
	s2 =	simm.s32 $0x6;
	s10 =	simm.s32 $0x10200  }
.LBB2_1:
0x1b: {  	s9 =	rddreg [dreg:$0x4];
	s12 =	simm.s32 $0x7  }
0x1c: {  	[tilespmem:s3], [sflag:$0x7] =	stream.linear.gather [hbm4b:s9+s3], $0x20, $0x38;
	[tilespmem:$0x18200] =	vst v63  }
0x1d: {  	_ =	swait.ge [sflag:s12], $0x20  }
0x1e: {  	[sflag:s12] =	ssyncset.done $0x0  }
0x1f: {  	[sflag:s12] =	ssyncadd.s32 $0xFFFFFFE0  }
0x20: {  	v3 =	vld [tilespmem:$0x0];
	_ =	sdelay $0x4  }
0x21: {  	v4 =	vshll.u32 v3, $0x3  }
0x22: {  	v3 =	vand.u32 $0x7, v3;
	v4 =	vand.u32 $0xFFFFFFC0, v4  }
0x23: {  	v3 =	vor.u32 v3, v4  }
0x24: {  	v4 =	vperm.xlane v3, v0;
	_ =	sdelay $0x1  }
0x25: {  	v4 =	vadd.s32 v1, v4;
	_ =	sdelay $0x4  }
0x26: {  	[tilespmem:s23], [sflag:$0x1] =	stream.indirect_vreg.gather [hbm4b:s1+s3], $0x80, v4, vm0, $0xb8;
	[tilespmem:$0x18200] =	vst v63  }
0x27: {  	s25 =	simm.s32 $0xA00;
	v3 =	vperm.xlane v3, v2  }
0x28: {  	[tilespmem:s25], [sflag:$0x1] =	stream.indirect_vreg.gather [hbm4b:s5+s3], $0x80, v4, vm0, $0xb8;
	[tilespmem:$0x18200] =	vst v63  }
0x29: {  	s26 =	simm.s32 $0x1200;
	v3 =	vadd.s32 v1, v3  }
0x2a: {  	[tilespmem:s26], [sflag:$0x1] =	stream.indirect_vreg.gather [hbm4b:s6+s3], $0x80, v4, vm0, $0xb8;
	[tilespmem:$0x18200] =	vst v63  }
0x2b: {  	s11 =	simm.s32 $0x1A00  }
0x2c: {  	[tilespmem:s11], [sflag:$0x1] =	stream.indirect_vreg.gather [hbm4b:s7+s3], $0x80, v4, vm0, $0xb8;
	[tilespmem:$0x18200] =	vst v63  }
0x2d: {  	s14 =	simm.s32 $0x2200  }
0x2e: {  	[tilespmem:s14], [sflag:$0x1] =	stream.indirect_vreg.gather [hbm4b:s1+s3], $0x80, v3, vm0, $0xb8;
	[tilespmem:$0x18200] =	vst v63  }
0x2f: {  	s15 =	simm.s32 $0x2A00  }
0x30: {  	[tilespmem:s15], [sflag:$0x1] =	stream.indirect_vreg.gather [hbm4b:s5+s3], $0x80, v3, vm0, $0xb8;
	[tilespmem:$0x18200] =	vst v63  }
0x31: {  	s16 =	simm.s32 $0x3200  }
0x32: {  	[tilespmem:s16], [sflag:$0x1] =	stream.indirect_vreg.gather [hbm4b:s6+s3], $0x80, v3, vm0, $0xb8;
	[tilespmem:$0x18200] =	vst v63  }
0x33: {  	s17 =	simm.s32 $0x3A00  }
0x34: {  	[tilespmem:s17], [sflag:$0x1] =	stream.indirect_vreg.gather [hbm4b:s7+s3], $0x80, v3, vm0, $0xb8;
	[tilespmem:$0x18200] =	vst v63  }
0x35: {  	v3 =	vld [tilespmem:$0x10];
	_ =	sdelay $0x4  }
0x36: {  	v33 =	vshll.u32 v3, $0x3  }
0x37: {  	v3 =	vand.u32 $0x7, v3;
	v4 =	vand.u32 $0xFFFFFFC0, v33  }
0x38: {  	v3 =	vor.u32 v3, v4  }
0x39: {  	v4 =	vperm.xlane v3, v0;
	_ =	sdelay $0x1  }
0x3a: {  	v4 =	vadd.s32 v1, v4;
	_ =	sdelay $0x3  }
0x3b: {  	s18 =	simm.s32 $0x4200  }
0x3c: {  	[tilespmem:s18], [sflag:$0x1] =	stream.indirect_vreg.gather [hbm4b:s1+s3], $0x80, v4, vm0, $0xb8;
	[tilespmem:$0x18200] =	vst v63  }
0x3d: {  	s19 =	simm.s32 $0x4A00;
	v3 =	vperm.xlane v3, v2  }
0x3e: {  	[tilespmem:s19], [sflag:$0x1] =	stream.indirect_vreg.gather [hbm4b:s5+s3], $0x80, v4, vm0, $0xb8;
	[tilespmem:$0x18200] =	vst v63  }
0x3f: {  	s20 =	simm.s32 $0x5200;
	v3 =	vadd.s32 v1, v3  }
0x40: {  	[tilespmem:s20], [sflag:$0x1] =	stream.indirect_vreg.gather [hbm4b:s6+s3], $0x80, v4, vm0, $0xb8;
	[tilespmem:$0x18200] =	vst v63  }
0x41: {  	s21 =	simm.s32 $0x5A00  }
0x42: {  	[tilespmem:s21], [sflag:$0x1] =	stream.indirect_vreg.gather [hbm4b:s7+s3], $0x80, v4, vm0, $0xb8;
	[tilespmem:$0x18200] =	vst v63  }
0x43: {  	s22 =	simm.s32 $0x6200  }
0x44: {  	[tilespmem:s22], [sflag:$0x1] =	stream.indirect_vreg.gather [hbm4b:s1+s3], $0x80, v3, vm0, $0xb8;
	[tilespmem:$0x18200] =	vst v63  }
0x45: {  	s24 =	simm.s32 $0x6A00  }
0x46: {  	[tilespmem:s24], [sflag:$0x1] =	stream.indirect_vreg.gather [hbm4b:s5+s3], $0x80, v3, vm0, $0xb8;
	[tilespmem:$0x18200] =	vst v63  }
0x47: {  	s25 =	simm.s32 $0x7200  }
0x48: {  	[tilespmem:s25], [sflag:$0x1] =	stream.indirect_vreg.gather [hbm4b:s6+s3], $0x80, v3, vm0, $0xb8;
	[tilespmem:$0x18200] =	vst v63  }
0x49: {  	s26 =	rddreg [dreg:$0x5];
	s14 =	simm.s32 $0x7A00  }
0x4a: {  	[tilespmem:s14], [sflag:$0x1] =	stream.indirect_vreg.gather [hbm4b:s7+s3], $0x80, v3, vm0, $0xb8;
	[tilespmem:$0x18200] =	vst v63  }
0x4b: {  	s11 =	rddreg [dreg:$0x15]  }
0x4c: {  	[tilespmem:s11], [sflag:$0x7] =	stream.linear.gather [hbm4b:s26+s3], $0x1E0, $0x38;
	[tilespmem:$0x18200] =	vst v63  }
0x4d: {  	_ =	swait.ge [sflag:s12], $0x1E0  }
0x4e: {  	[sflag:s12] =	ssyncset.done $0x0  }
0x4f: {  	[sflag:s12] =	ssyncadd.s32 $0xFFFFFE20  }
0x50: {  	v3 =	vld [tilespmem:$0x20];
	_ =	sdelay $0x4  }
0x51: {  	v34 =	vshll.u32 v3, $0x3  }
0x52: {  	v3 =	vand.u32 $0x7, v3;
	v4 =	vand.u32 $0xFFFFFFC0, v34  }
0x53: {  	v3 =	vor.u32 v3, v4  }
0x54: {  	v4 =	vperm.xlane v3, v0;
	_ =	sdelay $0x1  }
0x55: {  	v4 =	vadd.s32 v1, v4;
	_ =	sdelay $0x4  }
0x56: {  	[tilespmem:s29], [sflag:$0x2] =	stream.indirect_vreg.gather [hbm4b:s1+s3], $0x80, v4, vm0, $0xb8;
	[tilespmem:$0x18200] =	vst v63  }
0x57: {  	s12 =	simm.s32 $0x8A00;
	v3 =	vperm.xlane v3, v2  }
0x58: {  	[tilespmem:s12], [sflag:$0x2] =	stream.indirect_vreg.gather [hbm4b:s5+s3], $0x80, v4, vm0, $0xb8;
	[tilespmem:$0x18200] =	vst v63  }
0x59: {  	s14 =	simm.s32 $0x9200;
	v3 =	vadd.s32 v1, v3  }
0x5a: {  	[tilespmem:s14], [sflag:$0x2] =	stream.indirect_vreg.gather [hbm4b:s6+s3], $0x80, v4, vm0, $0xb8;
	[tilespmem:$0x18200] =	vst v63  }
0x5b: {  	s15 =	simm.s32 $0x9A00  }
0x5c: {  	[tilespmem:s15], [sflag:$0x2] =	stream.indirect_vreg.gather [hbm4b:s7+s3], $0x80, v4, vm0, $0xb8;
	[tilespmem:$0x18200] =	vst v63  }
0x5d: {  	s16 =	simm.s32 $0xA200  }
0x5e: {  	[tilespmem:s16], [sflag:$0x2] =	stream.indirect_vreg.gather [hbm4b:s1+s3], $0x80, v3, vm0, $0xb8;
	[tilespmem:$0x18200] =	vst v63  }
0x5f: {  	s20 =	simm.s32 $0xAA00  }
0x60: {  	[tilespmem:s20], [sflag:$0x2] =	stream.indirect_vreg.gather [hbm4b:s5+s3], $0x80, v3, vm0, $0xb8;
	[tilespmem:$0x18200] =	vst v63  }
0x61: {  	s21 =	simm.s32 $0xB200  }
0x62: {  	[tilespmem:s21], [sflag:$0x2] =	stream.indirect_vreg.gather [hbm4b:s6+s3], $0x80, v3, vm0, $0xb8;
	[tilespmem:$0x18200] =	vst v63  }
0x63: {  	s22 =	simm.s32 $0xBA00  }
0x64: {  	[tilespmem:s22], [sflag:$0x2] =	stream.indirect_vreg.gather [hbm4b:s7+s3], $0x80, v3, vm0, $0xb8;
	[tilespmem:$0x18200] =	vst v63  }
0x65: {  	v3 =	vld [tilespmem:$0x30];
	_ =	sdelay $0x4  }
0x66: {  	v35 =	vshll.u32 v3, $0x3  }
0x67: {  	v3 =	vand.u32 $0x7, v3;
	v4 =	vand.u32 $0xFFFFFFC0, v35  }
0x68: {  	v3 =	vor.u32 v3, v4  }
0x69: {  	v4 =	vperm.xlane v3, v0;
	_ =	sdelay $0x1  }
0x6a: {  	v4 =	vadd.s32 v1, v4;
	_ =	sdelay $0x3  }
0x6b: {  	s24 =	simm.s32 $0xC200  }
0x6c: {  	[tilespmem:s24], [sflag:$0x2] =	stream.indirect_vreg.gather [hbm4b:s1+s3], $0x80, v4, vm0, $0xb8;
	[tilespmem:$0x18200] =	vst v63  }
0x6d: {  	s25 =	simm.s32 $0xCA00;
	v3 =	vperm.xlane v3, v2  }
0x6e: {  	[tilespmem:s25], [sflag:$0x2] =	stream.indirect_vreg.gather [hbm4b:s5+s3], $0x80, v4, vm0, $0xb8;
	[tilespmem:$0x18200] =	vst v63  }
0x6f: {  	s26 =	simm.s32 $0xD200;
	v3 =	vadd.s32 v1, v3  }
0x70: {  	[tilespmem:s26], [sflag:$0x2] =	stream.indirect_vreg.gather [hbm4b:s6+s3], $0x80, v4, vm0, $0xb8;
	[tilespmem:$0x18200] =	vst v63  }
0x71: {  	s14 =	simm.s32 $0xDA00  }
0x72: {  	[tilespmem:s14], [sflag:$0x2] =	stream.indirect_vreg.gather [hbm4b:s7+s3], $0x80, v4, vm0, $0xb8;
	[tilespmem:$0x18200] =	vst v63  }
0x73: {  	s15 =	simm.s32 $0xE200  }
0x74: {  	[tilespmem:s15], [sflag:$0x2] =	stream.indirect_vreg.gather [hbm4b:s1+s3], $0x80, v3, vm0, $0xb8;
	[tilespmem:$0x18200] =	vst v63  }
0x75: {  	s16 =	simm.s32 $0xEA00  }
0x76: {  	[tilespmem:s16], [sflag:$0x2] =	stream.indirect_vreg.gather [hbm4b:s5+s3], $0x80, v3, vm0, $0xb8;
	[tilespmem:$0x18200] =	vst v63  }
0x77: {  	s20 =	simm.s32 $0xF200  }
0x78: {  	[tilespmem:s20], [sflag:$0x2] =	stream.indirect_vreg.gather [hbm4b:s6+s3], $0x80, v3, vm0, $0xb8;
	[tilespmem:$0x18200] =	vst v63  }
0x79: {  	s21 =	simm.s32 $0xFA00  }
0x7a: {  	[tilespmem:s21], [sflag:$0x2] =	stream.indirect_vreg.gather [hbm4b:s7+s3], $0x80, v3, vm0, $0xb8;
	[tilespmem:$0x18200] =	vst v63  }
0x7b: {  	v3 =	vld [tilespmem:$0x40];
	_ =	sdelay $0x4  }
0x7c: {  	v36 =	vshll.u32 v3, $0x3  }
0x7d: {  	v3 =	vand.u32 $0x7, v3;
	v4 =	vand.u32 $0xFFFFFFC0, v36  }
0x7e: {  	v3 =	vor.u32 v3, v4  }
0x7f: {  	v4 =	vperm.xlane v3, v0;
	_ =	sdelay $0x1  }
0x80: {  	v4 =	vadd.s32 v1, v4;
	_ =	sdelay $0x4  }
0x81: {  	[tilespmem:s10], [sflag:$0x3] =	stream.indirect_vreg.gather [hbm4b:s1+s3], $0x80, v4, vm0, $0xb8;
	[tilespmem:$0x18200] =	vst v63  }
0x82: {  	s22 =	simm.s32 $0x10A00;
	v3 =	vperm.xlane v3, v2  }
0x83: {  	[tilespmem:s22], [sflag:$0x3] =	stream.indirect_vreg.gather [hbm4b:s5+s3], $0x80, v4, vm0, $0xb8;
	[tilespmem:$0x18200] =	vst v63  }
0x84: {  	s26 =	simm.s32 $0x11200;
	v3 =	vadd.s32 v1, v3  }
0x85: {  	[tilespmem:s26], [sflag:$0x3] =	stream.indirect_vreg.gather [hbm4b:s6+s3], $0x80, v4, vm0, $0xb8;
	[tilespmem:$0x18200] =	vst v63  }
0x86: {  	s14 =	simm.s32 $0x11A00  }
0x87: {  	[tilespmem:s14], [sflag:$0x3] =	stream.indirect_vreg.gather [hbm4b:s7+s3], $0x80, v4, vm0, $0xb8;
	[tilespmem:$0x18200] =	vst v63  }
0x88: {  	s15 =	simm.s32 $0x12200  }
0x89: {  	[tilespmem:s15], [sflag:$0x3] =	stream.indirect_vreg.gather [hbm4b:s1+s3], $0x80, v3, vm0, $0xb8;
	[tilespmem:$0x18200] =	vst v63  }
0x8a: {  	s16 =	simm.s32 $0x12A00  }
0x8b: {  	[tilespmem:s16], [sflag:$0x3] =	stream.indirect_vreg.gather [hbm4b:s5+s3], $0x80, v3, vm0, $0xb8;
	[tilespmem:$0x18200] =	vst v63  }
0x8c: {  	s20 =	simm.s32 $0x13200  }
0x8d: {  	[tilespmem:s20], [sflag:$0x3] =	stream.indirect_vreg.gather [hbm4b:s6+s3], $0x80, v3, vm0, $0xb8;
	[tilespmem:$0x18200] =	vst v63  }
0x8e: {  	s21 =	simm.s32 $0x13A00  }
0x8f: {  	[tilespmem:s21], [sflag:$0x3] =	stream.indirect_vreg.gather [hbm4b:s7+s3], $0x80, v3, vm0, $0xb8;
	[tilespmem:$0x18200] =	vst v63  }
0x90: {  	v3 =	vld [tilespmem:$0x50];
	_ =	sdelay $0x4  }
0x91: {  	v37 =	vshll.u32 v3, $0x3  }
0x92: {  	v3 =	vand.u32 $0x7, v3;
	v4 =	vand.u32 $0xFFFFFFC0, v37  }
0x93: {  	v3 =	vor.u32 v3, v4  }
0x94: {  	v4 =	vperm.xlane v3, v0;
	_ =	sdelay $0x1  }
0x95: {  	v4 =	vadd.s32 v1, v4;
	_ =	sdelay $0x3  }
0x96: {  	s22 =	simm.s32 $0x14200  }
0x97: {  	[tilespmem:s22], [sflag:$0x3] =	stream.indirect_vreg.gather [hbm4b:s1+s3], $0x80, v4, vm0, $0xb8;
	[tilespmem:$0x18200] =	vst v63  }
0x98: {  	s26 =	simm.s32 $0x14A00;
	v3 =	vperm.xlane v3, v2  }
0x99: {  	[tilespmem:s26], [sflag:$0x3] =	stream.indirect_vreg.gather [hbm4b:s5+s3], $0x80, v4, vm0, $0xb8;
	[tilespmem:$0x18200] =	vst v63  }
0x9a: {  	s14 =	simm.s32 $0x15200;
	v3 =	vadd.s32 v1, v3  }
0x9b: {  	[tilespmem:s14], [sflag:$0x3] =	stream.indirect_vreg.gather [hbm4b:s6+s3], $0x80, v4, vm0, $0xb8;
	[tilespmem:$0x18200] =	vst v63  }
0x9c: {  	s15 =	simm.s32 $0x15A00  }
0x9d: {  	[tilespmem:s15], [sflag:$0x3] =	stream.indirect_vreg.gather [hbm4b:s7+s3], $0x80, v4, vm0, $0xb8;
	[tilespmem:$0x18200] =	vst v63  }
0x9e: {  	s16 =	simm.s32 $0x16200  }
0x9f: {  	[tilespmem:s16], [sflag:$0x3] =	stream.indirect_vreg.gather [hbm4b:s1+s3], $0x80, v3, vm0, $0xb8;
	[tilespmem:$0x18200] =	vst v63  }
0xa0: {  	s20 =	simm.s32 $0x16A00  }
0xa1: {  	[tilespmem:s20], [sflag:$0x3] =	stream.indirect_vreg.gather [hbm4b:s5+s3], $0x80, v3, vm0, $0xb8;
	[tilespmem:$0x18200] =	vst v63  }
0xa2: {  	s21 =	simm.s32 $0x17200  }
0xa3: {  	[tilespmem:s21], [sflag:$0x3] =	stream.indirect_vreg.gather [hbm4b:s6+s3], $0x80, v3, vm0, $0xb8;
	[tilespmem:$0x18200] =	vst v63  }
0xa4: {  	s22 =	simm.s32 $0x17A00  }
0xa5: {  	[tilespmem:s22], [sflag:$0x3] =	stream.indirect_vreg.gather [hbm4b:s7+s3], $0x80, v3, vm0, $0xb8;
	[tilespmem:$0x18200] =	vst v63  }
0xa6: {  	_ =	swait.ge [sflag:s0], $0x8000  }
0xa7: {  	[sflag:s0] =	ssyncset.done $0x0  }
0xa8: {  	s26 =	rddreg [dreg:$0x16];
	[sflag:s0] =	ssyncadd.s32 $0xFFFF8000  }
0xa9: {  	[hbm4b:s26+s3] =	stream.linear.scatter [tilespmem:s23], [sflag:$0x4], $0x8000, $0x38;
	[tilespmem:$0x18200] =	vst v63  }
0xaa: {  	_ =	swait.ge [sflag:s4], $0x8000  }
0xab: {  	[sflag:s4] =	ssyncset.done $0x0  }
0xac: {  	[sflag:s4] =	ssyncadd.s32 $0xFFFF8000  }
0xad: {  	v3 =	vld [tilespmem:$0x60];
	_ =	sdelay $0x4  }
0xae: {  	v38 =	vshll.u32 v3, $0x3  }
0xaf: {  	v3 =	vand.u32 $0x7, v3;
	v4 =	vand.u32 $0xFFFFFFC0, v38  }
0xb0: {  	v3 =	vor.u32 v3, v4  }
0xb1: {  	v4 =	vperm.xlane v3, v0;
	_ =	sdelay $0x1  }
0xb2: {  	v4 =	vadd.s32 v1, v4;
	_ =	sdelay $0x4  }
0xb3: {  	[tilespmem:s23], [sflag:$0x1] =	stream.indirect_vreg.gather [hbm4b:s1+s3], $0x80, v4, vm0, $0xb8;
	[tilespmem:$0x18200] =	vst v63  }
0xb4: {  	s13 =	simm.s32 $0xA00;
	v3 =	vperm.xlane v3, v2  }
0xb5: {  	[tilespmem:s13], [sflag:$0x1] =	stream.indirect_vreg.gather [hbm4b:s5+s3], $0x80, v4, vm0, $0xb8;
	[tilespmem:$0x18200] =	vst v63  }
0xb6: {  	s26 =	simm.s32 $0x1200;
	v3 =	vadd.s32 v1, v3  }
0xb7: {  	[tilespmem:s26], [sflag:$0x1] =	stream.indirect_vreg.gather [hbm4b:s6+s3], $0x80, v4, vm0, $0xb8;
	[tilespmem:$0x18200] =	vst v63  }
0xb8: {  	s13 =	simm.s32 $0x1A00  }
0xb9: {  	[tilespmem:s13], [sflag:$0x1] =	stream.indirect_vreg.gather [hbm4b:s7+s3], $0x80, v4, vm0, $0xb8;
	[tilespmem:$0x18200] =	vst v63  }
0xba: {  	s14 =	simm.s32 $0x2200  }
0xbb: {  	[tilespmem:s14], [sflag:$0x1] =	stream.indirect_vreg.gather [hbm4b:s1+s3], $0x80, v3, vm0, $0xb8;
	[tilespmem:$0x18200] =	vst v63  }
0xbc: {  	s15 =	simm.s32 $0x2A00  }
0xbd: {  	[tilespmem:s15], [sflag:$0x1] =	stream.indirect_vreg.gather [hbm4b:s5+s3], $0x80, v3, vm0, $0xb8;
	[tilespmem:$0x18200] =	vst v63  }
0xbe: {  	s16 =	simm.s32 $0x3200  }
0xbf: {  	[tilespmem:s16], [sflag:$0x1] =	stream.indirect_vreg.gather [hbm4b:s6+s3], $0x80, v3, vm0, $0xb8;
	[tilespmem:$0x18200] =	vst v63  }
0xc0: {  	s17 =	simm.s32 $0x3A00  }
0xc1: {  	[tilespmem:s17], [sflag:$0x1] =	stream.indirect_vreg.gather [hbm4b:s7+s3], $0x80, v3, vm0, $0xb8;
	[tilespmem:$0x18200] =	vst v63  }
0xc2: {  	v3 =	vld [tilespmem:$0x70];
	_ =	sdelay $0x4  }
0xc3: {  	v39 =	vshll.u32 v3, $0x3  }
0xc4: {  	v3 =	vand.u32 $0x7, v3;
	v4 =	vand.u32 $0xFFFFFFC0, v39  }
0xc5: {  	v3 =	vor.u32 v3, v4  }
0xc6: {  	v4 =	vperm.xlane v3, v0;
	_ =	sdelay $0x1  }
0xc7: {  	v4 =	vadd.s32 v1, v4;
	_ =	sdelay $0x3  }
0xc8: {  	s18 =	simm.s32 $0x4200  }
0xc9: {  	[tilespmem:s18], [sflag:$0x1] =	stream.indirect_vreg.gather [hbm4b:s1+s3], $0x80, v4, vm0, $0xb8;
	[tilespmem:$0x18200] =	vst v63  }
0xca: {  	s19 =	simm.s32 $0x4A00;
	v3 =	vperm.xlane v3, v2  }
0xcb: {  	[tilespmem:s19], [sflag:$0x1] =	stream.indirect_vreg.gather [hbm4b:s5+s3], $0x80, v4, vm0, $0xb8;
	[tilespmem:$0x18200] =	vst v63  }
0xcc: {  	s17 =	simm.s32 $0x5200;
	v3 =	vadd.s32 v1, v3  }
0xcd: {  	[tilespmem:s17], [sflag:$0x1] =	stream.indirect_vreg.gather [hbm4b:s6+s3], $0x80, v4, vm0, $0xb8;
	[tilespmem:$0x18200] =	vst v63  }
0xce: {  	s18 =	simm.s32 $0x5A00  }
0xcf: {  	[tilespmem:s18], [sflag:$0x1] =	stream.indirect_vreg.gather [hbm4b:s7+s3], $0x80, v4, vm0, $0xb8;
	[tilespmem:$0x18200] =	vst v63  }
0xd0: {  	s19 =	simm.s32 $0x6200  }
0xd1: {  	[tilespmem:s19], [sflag:$0x1] =	stream.indirect_vreg.gather [hbm4b:s1+s3], $0x80, v3, vm0, $0xb8;
	[tilespmem:$0x18200] =	vst v63  }
0xd2: {  	s20 =	simm.s32 $0x6A00  }
0xd3: {  	[tilespmem:s20], [sflag:$0x1] =	stream.indirect_vreg.gather [hbm4b:s5+s3], $0x80, v3, vm0, $0xb8;
	[tilespmem:$0x18200] =	vst v63  }
0xd4: {  	s21 =	simm.s32 $0x7200  }
0xd5: {  	[tilespmem:s21], [sflag:$0x1] =	stream.indirect_vreg.gather [hbm4b:s6+s3], $0x80, v3, vm0, $0xb8;
	[tilespmem:$0x18200] =	vst v63  }
0xd6: {  	s22 =	simm.s32 $0x7A00  }
0xd7: {  	[tilespmem:s22], [sflag:$0x1] =	stream.indirect_vreg.gather [hbm4b:s7+s3], $0x80, v3, vm0, $0xb8;
	[tilespmem:$0x18200] =	vst v63  }
0xd8: {  	_ =	swait.ge [sflag:s28], $0x8000  }
0xd9: {  	[sflag:s28] =	ssyncset.done $0x0  }
0xda: {  	s9 =	rddreg [dreg:$0x6];
	[sflag:s28] =	ssyncadd.s32 $0xFFFF8000  }
0xdb: {  	[hbm4b:s9+s3] =	stream.linear.scatter [tilespmem:s29], [sflag:$0x5], $0x8000, $0x38;
	[tilespmem:$0x18200] =	vst v63  }
0xdc: {  	_ =	swait.ge [sflag:s30], $0x8000  }
0xdd: {  	[sflag:s30] =	ssyncset.done $0x0  }
0xde: {  	[sflag:s30] =	ssyncadd.s32 $0xFFFF8000  }
0xdf: {  	v3 =	vld [tilespmem:$0x80];
	_ =	sdelay $0x4  }
0xe0: {  	v40 =	vshll.u32 v3, $0x3  }
0xe1: {  	v3 =	vand.u32 $0x7, v3;
	v4 =	vand.u32 $0xFFFFFFC0, v40  }
0xe2: {  	v3 =	vor.u32 v3, v4  }
0xe3: {  	v4 =	vperm.xlane v3, v0;
	_ =	sdelay $0x1  }
0xe4: {  	v4 =	vadd.s32 v1, v4;
	_ =	sdelay $0x4  }
0xe5: {  	[tilespmem:s29], [sflag:$0x2] =	stream.indirect_vreg.gather [hbm4b:s1+s3], $0x80, v4, vm0, $0xb8;
	[tilespmem:$0x18200] =	vst v63  }
0xe6: {  	s11 =	simm.s32 $0x8A00;
	v3 =	vperm.xlane v3, v2  }
0xe7: {  	[tilespmem:s11], [sflag:$0x2] =	stream.indirect_vreg.gather [hbm4b:s5+s3], $0x80, v4, vm0, $0xb8;
	[tilespmem:$0x18200] =	vst v63  }
0xe8: {  	v3 =	vadd.s32 v1, v3;
	s11 =	simm.s32 $0x9200  }
0xe9: {  	[tilespmem:s11], [sflag:$0x2] =	stream.indirect_vreg.gather [hbm4b:s6+s3], $0x80, v4, vm0, $0xb8;
	[tilespmem:$0x18200] =	vst v63  }
0xea: {  	s11 =	simm.s32 $0x9A00  }
0xeb: {  	[tilespmem:s11], [sflag:$0x2] =	stream.indirect_vreg.gather [hbm4b:s7+s3], $0x80, v4, vm0, $0xb8;
	[tilespmem:$0x18200] =	vst v63  }
0xec: {  	s11 =	simm.s32 $0xA200  }
0xed: {  	[tilespmem:s11], [sflag:$0x2] =	stream.indirect_vreg.gather [hbm4b:s1+s3], $0x80, v3, vm0, $0xb8;
	[tilespmem:$0x18200] =	vst v63  }
0xee: {  	s11 =	simm.s32 $0xAA00  }
0xef: {  	[tilespmem:s11], [sflag:$0x2] =	stream.indirect_vreg.gather [hbm4b:s5+s3], $0x80, v3, vm0, $0xb8;
	[tilespmem:$0x18200] =	vst v63  }
0xf0: {  	s11 =	simm.s32 $0xB200  }
0xf1: {  	[tilespmem:s11], [sflag:$0x2] =	stream.indirect_vreg.gather [hbm4b:s6+s3], $0x80, v3, vm0, $0xb8;
	[tilespmem:$0x18200] =	vst v63  }
0xf2: {  	s12 =	simm.s32 $0xBA00  }
0xf3: {  	[tilespmem:s12], [sflag:$0x2] =	stream.indirect_vreg.gather [hbm4b:s7+s3], $0x80, v3, vm0, $0xb8;
	[tilespmem:$0x18200] =	vst v63  }
0xf4: {  	v3 =	vld [tilespmem:$0x90];
	_ =	sdelay $0x4  }
0xf5: {  	v41 =	vshll.u32 v3, $0x3  }
0xf6: {  	v3 =	vand.u32 $0x7, v3;
	v4 =	vand.u32 $0xFFFFFFC0, v41  }
0xf7: {  	v3 =	vor.u32 v3, v4  }
0xf8: {  	v4 =	vperm.xlane v3, v0;
	_ =	sdelay $0x1  }
0xf9: {  	v4 =	vadd.s32 v1, v4;
	_ =	sdelay $0x3  }
0xfa: {  	s24 =	simm.s32 $0xC200  }
0xfb: {  	[tilespmem:s24], [sflag:$0x2] =	stream.indirect_vreg.gather [hbm4b:s1+s3], $0x80, v4, vm0, $0xb8;
	[tilespmem:$0x18200] =	vst v63  }
0xfc: {  	s25 =	simm.s32 $0xCA00;
	v3 =	vperm.xlane v3, v2  }
0xfd: {  	[tilespmem:s25], [sflag:$0x2] =	stream.indirect_vreg.gather [hbm4b:s5+s3], $0x80, v4, vm0, $0xb8;
	[tilespmem:$0x18200] =	vst v63  }
0xfe: {  	v3 =	vadd.s32 v1, v3;
	s24 =	simm.s32 $0xD200  }
0xff: {  	[tilespmem:s24], [sflag:$0x2] =	stream.indirect_vreg.gather [hbm4b:s6+s3], $0x80, v4, vm0, $0xb8;
	[tilespmem:$0x18200] =	vst v63  }
0x100: {  	s25 =	simm.s32 $0xDA00  }
0x101: {  	[tilespmem:s25], [sflag:$0x2] =	stream.indirect_vreg.gather [hbm4b:s7+s3], $0x80, v4, vm0, $0xb8;
	[tilespmem:$0x18200] =	vst v63  }
0x102: {  	s11 =	simm.s32 $0xE200  }
0x103: {  	[tilespmem:s11], [sflag:$0x2] =	stream.indirect_vreg.gather [hbm4b:s1+s3], $0x80, v3, vm0, $0xb8;
	[tilespmem:$0x18200] =	vst v63  }
0x104: {  	s12 =	simm.s32 $0xEA00  }
0x105: {  	[tilespmem:s12], [sflag:$0x2] =	stream.indirect_vreg.gather [hbm4b:s5+s3], $0x80, v3, vm0, $0xb8;
	[tilespmem:$0x18200] =	vst v63  }
0x106: {  	s24 =	simm.s32 $0xF200  }
0x107: {  	[tilespmem:s24], [sflag:$0x2] =	stream.indirect_vreg.gather [hbm4b:s6+s3], $0x80, v3, vm0, $0xb8;
	[tilespmem:$0x18200] =	vst v63  }
0x108: {  	s25 =	simm.s32 $0xFA00  }
0x109: {  	[tilespmem:s25], [sflag:$0x2] =	stream.indirect_vreg.gather [hbm4b:s7+s3], $0x80, v3, vm0, $0xb8;
	[tilespmem:$0x18200] =	vst v63  }
0x10a: {  	_ =	swait.ge [sflag:s31], $0x8000  }
0x10b: {  	[sflag:s31] =	ssyncset.done $0x0  }
0x10c: {  	s11 =	rddreg [dreg:$0x7];
	[sflag:s31] =	ssyncadd.s32 $0xFFFF8000  }
0x10d: {  	[hbm4b:s11+s3] =	stream.linear.scatter [tilespmem:s10], [sflag:$0x6], $0x8000, $0x38;
	[tilespmem:$0x18200] =	vst v63  }
0x10e: {  	_ =	swait.ge [sflag:s2], $0x8000  }
0x10f: {  	[sflag:s2] =	ssyncset.done $0x0  }
0x110: {  	[sflag:s2] =	ssyncadd.s32 $0xFFFF8000  }
0x111: {  	v3 =	vld [tilespmem:$0xA0];
	_ =	sdelay $0x4  }
0x112: {  	v42 =	vshll.u32 v3, $0x3  }
0x113: {  	v3 =	vand.u32 $0x7, v3;
	v4 =	vand.u32 $0xFFFFFFC0, v42  }
0x114: {  	v3 =	vor.u32 v3, v4  }
0x115: {  	v4 =	vperm.xlane v3, v0;
	_ =	sdelay $0x1  }
0x116: {  	v4 =	vadd.s32 v1, v4;
	_ =	sdelay $0x4  }
0x117: {  	[tilespmem:s10], [sflag:$0x3] =	stream.indirect_vreg.gather [hbm4b:s1+s3], $0x80, v4, vm0, $0xb8;
	[tilespmem:$0x18200] =	vst v63  }
0x118: {  	s12 =	simm.s32 $0x10A00;
	v3 =	vperm.xlane v3, v2  }
0x119: {  	[tilespmem:s12], [sflag:$0x3] =	stream.indirect_vreg.gather [hbm4b:s5+s3], $0x80, v4, vm0, $0xb8;
	[tilespmem:$0x18200] =	vst v63  }
0x11a: {  	s24 =	simm.s32 $0x11200;
	v3 =	vadd.s32 v1, v3  }
0x11b: {  	[tilespmem:s24], [sflag:$0x3] =	stream.indirect_vreg.gather [hbm4b:s6+s3], $0x80, v4, vm0, $0xb8;
	[tilespmem:$0x18200] =	vst v63  }
0x11c: {  	s25 =	simm.s32 $0x11A00  }
0x11d: {  	[tilespmem:s25], [sflag:$0x3] =	stream.indirect_vreg.gather [hbm4b:s7+s3], $0x80, v4, vm0, $0xb8;
	[tilespmem:$0x18200] =	vst v63  }
0x11e: {  	s11 =	simm.s32 $0x12200  }
0x11f: {  	[tilespmem:s11], [sflag:$0x3] =	stream.indirect_vreg.gather [hbm4b:s1+s3], $0x80, v3, vm0, $0xb8;
	[tilespmem:$0x18200] =	vst v63  }
0x120: {  	s12 =	simm.s32 $0x12A00  }
0x121: {  	[tilespmem:s12], [sflag:$0x3] =	stream.indirect_vreg.gather [hbm4b:s5+s3], $0x80, v3, vm0, $0xb8;
	[tilespmem:$0x18200] =	vst v63  }
0x122: {  	s24 =	simm.s32 $0x13200  }
0x123: {  	[tilespmem:s24], [sflag:$0x3] =	stream.indirect_vreg.gather [hbm4b:s6+s3], $0x80, v3, vm0, $0xb8;
	[tilespmem:$0x18200] =	vst v63  }
0x124: {  	s25 =	simm.s32 $0x13A00  }
0x125: {  	[tilespmem:s25], [sflag:$0x3] =	stream.indirect_vreg.gather [hbm4b:s7+s3], $0x80, v3, vm0, $0xb8;
	[tilespmem:$0x18200] =	vst v63  }
0x126: {  	v3 =	vld [tilespmem:$0xB0];
	_ =	sdelay $0x4  }
0x127: {  	v43 =	vshll.u32 v3, $0x3  }
0x128: {  	v3 =	vand.u32 $0x7, v3;
	v4 =	vand.u32 $0xFFFFFFC0, v43  }
0x129: {  	v3 =	vor.u32 v3, v4  }
0x12a: {  	v4 =	vperm.xlane v3, v0;
	_ =	sdelay $0x1  }
0x12b: {  	v4 =	vadd.s32 v1, v4;
	_ =	sdelay $0x3  }
0x12c: {  	s11 =	simm.s32 $0x14200  }
0x12d: {  	[tilespmem:s11], [sflag:$0x3] =	stream.indirect_vreg.gather [hbm4b:s1+s3], $0x80, v4, vm0, $0xb8;
	[tilespmem:$0x18200] =	vst v63  }
0x12e: {  	s12 =	simm.s32 $0x14A00;
	v3 =	vperm.xlane v3, v2  }
0x12f: {  	[tilespmem:s12], [sflag:$0x3] =	stream.indirect_vreg.gather [hbm4b:s5+s3], $0x80, v4, vm0, $0xb8;
	[tilespmem:$0x18200] =	vst v63  }
0x130: {  	s24 =	simm.s32 $0x15200;
	v3 =	vadd.s32 v1, v3  }
0x131: {  	[tilespmem:s24], [sflag:$0x3] =	stream.indirect_vreg.gather [hbm4b:s6+s3], $0x80, v4, vm0, $0xb8;
	[tilespmem:$0x18200] =	vst v63  }
0x132: {  	s25 =	simm.s32 $0x15A00  }
0x133: {  	[tilespmem:s25], [sflag:$0x3] =	stream.indirect_vreg.gather [hbm4b:s7+s3], $0x80, v4, vm0, $0xb8;
	[tilespmem:$0x18200] =	vst v63  }
0x134: {  	s11 =	simm.s32 $0x16200  }
0x135: {  	[tilespmem:s11], [sflag:$0x3] =	stream.indirect_vreg.gather [hbm4b:s1+s3], $0x80, v3, vm0, $0xb8;
	[tilespmem:$0x18200] =	vst v63  }
0x136: {  	s12 =	simm.s32 $0x16A00  }
0x137: {  	[tilespmem:s12], [sflag:$0x3] =	stream.indirect_vreg.gather [hbm4b:s5+s3], $0x80, v3, vm0, $0xb8;
	[tilespmem:$0x18200] =	vst v63  }
0x138: {  	s24 =	simm.s32 $0x17200  }
0x139: {  	[tilespmem:s24], [sflag:$0x3] =	stream.indirect_vreg.gather [hbm4b:s6+s3], $0x80, v3, vm0, $0xb8;
	[tilespmem:$0x18200] =	vst v63  }
0x13a: {  	s25 =	simm.s32 $0x17A00  }
0x13b: {  	[tilespmem:s25], [sflag:$0x3] =	stream.indirect_vreg.gather [hbm4b:s7+s3], $0x80, v3, vm0, $0xb8;
	[tilespmem:$0x18200] =	vst v63  }
0x13c: {  	_ =	swait.ge [sflag:s0], $0x8000  }
0x13d: {  	[sflag:s0] =	ssyncset.done $0x0  }
0x13e: {  	s11 =	rddreg [dreg:$0x8];
	[sflag:s0] =	ssyncadd.s32 $0xFFFF8000  }
0x13f: {  	[hbm4b:s11+s3] =	stream.linear.scatter [tilespmem:s23], [sflag:$0x4], $0x8000, $0x38;
	[tilespmem:$0x18200] =	vst v63  }
0x140: {  	_ =	swait.ge [sflag:s4], $0x8000  }
0x141: {  	[sflag:s4] =	ssyncset.done $0x0  }
0x142: {  	[sflag:s4] =	ssyncadd.s32 $0xFFFF8000  }
0x143: {  	v3 =	vld [tilespmem:$0xC0];
	_ =	sdelay $0x4  }
0x144: {  	v44 =	vshll.u32 v3, $0x3  }
0x145: {  	v3 =	vand.u32 $0x7, v3;
	v4 =	vand.u32 $0xFFFFFFC0, v44  }
0x146: {  	v3 =	vor.u32 v3, v4  }
0x147: {  	v4 =	vperm.xlane v3, v0;
	_ =	sdelay $0x1  }
0x148: {  	v4 =	vadd.s32 v1, v4;
	_ =	sdelay $0x4  }
0x149: {  	[tilespmem:s23], [sflag:$0x1] =	stream.indirect_vreg.gather [hbm4b:s1+s3], $0x80, v4, vm0, $0xb8;
	[tilespmem:$0x18200] =	vst v63  }
0x14a: {  	s12 =	simm.s32 $0xA00;
	v3 =	vperm.xlane v3, v2  }
0x14b: {  	[tilespmem:s12], [sflag:$0x1] =	stream.indirect_vreg.gather [hbm4b:s5+s3], $0x80, v4, vm0, $0xb8;
	[tilespmem:$0x18200] =	vst v63  }
0x14c: {  	v3 =	vadd.s32 v1, v3  }
0x14d: {  	[tilespmem:s26], [sflag:$0x1] =	stream.indirect_vreg.gather [hbm4b:s6+s3], $0x80, v4, vm0, $0xb8;
	[tilespmem:$0x18200] =	vst v63  }
0x14e: {  	_ = 	snop  }
0x14f: {  	[tilespmem:s13], [sflag:$0x1] =	stream.indirect_vreg.gather [hbm4b:s7+s3], $0x80, v4, vm0, $0xb8;
	[tilespmem:$0x18200] =	vst v63  }
0x150: {  	_ = 	snop  }
0x151: {  	[tilespmem:s14], [sflag:$0x1] =	stream.indirect_vreg.gather [hbm4b:s1+s3], $0x80, v3, vm0, $0xb8;
	[tilespmem:$0x18200] =	vst v63  }
0x152: {  	_ = 	snop  }
0x153: {  	[tilespmem:s15], [sflag:$0x1] =	stream.indirect_vreg.gather [hbm4b:s5+s3], $0x80, v3, vm0, $0xb8;
	[tilespmem:$0x18200] =	vst v63  }
0x154: {  	_ = 	snop  }
0x155: {  	[tilespmem:s16], [sflag:$0x1] =	stream.indirect_vreg.gather [hbm4b:s6+s3], $0x80, v3, vm0, $0xb8;
	[tilespmem:$0x18200] =	vst v63  }
0x156: {  	s13 =	simm.s32 $0x3A00  }
0x157: {  	[tilespmem:s13], [sflag:$0x1] =	stream.indirect_vreg.gather [hbm4b:s7+s3], $0x80, v3, vm0, $0xb8;
	[tilespmem:$0x18200] =	vst v63  }
0x158: {  	v3 =	vld [tilespmem:$0xD0];
	_ =	sdelay $0x4  }
0x159: {  	v45 =	vshll.u32 v3, $0x3  }
0x15a: {  	v3 =	vand.u32 $0x7, v3;
	v4 =	vand.u32 $0xFFFFFFC0, v45  }
0x15b: {  	v3 =	vor.u32 v3, v4  }
0x15c: {  	v4 =	vperm.xlane v3, v0;
	_ =	sdelay $0x1  }
0x15d: {  	v4 =	vadd.s32 v1, v4;
	_ =	sdelay $0x3  }
0x15e: {  	s25 =	simm.s32 $0x4200  }
0x15f: {  	[tilespmem:s25], [sflag:$0x1] =	stream.indirect_vreg.gather [hbm4b:s1+s3], $0x80, v4, vm0, $0xb8;
	[tilespmem:$0x18200] =	vst v63  }
0x160: {  	s26 =	simm.s32 $0x4A00;
	v3 =	vperm.xlane v3, v2  }
0x161: {  	[tilespmem:s26], [sflag:$0x1] =	stream.indirect_vreg.gather [hbm4b:s5+s3], $0x80, v4, vm0, $0xb8;
	[tilespmem:$0x18200] =	vst v63  }
0x162: {  	v3 =	vadd.s32 v1, v3  }
0x163: {  	[tilespmem:s17], [sflag:$0x1] =	stream.indirect_vreg.gather [hbm4b:s6+s3], $0x80, v4, vm0, $0xb8;
	[tilespmem:$0x18200] =	vst v63  }
0x164: {  	_ = 	snop  }
0x165: {  	[tilespmem:s18], [sflag:$0x1] =	stream.indirect_vreg.gather [hbm4b:s7+s3], $0x80, v4, vm0, $0xb8;
	[tilespmem:$0x18200] =	vst v63  }
0x166: {  	_ = 	snop  }
0x167: {  	[tilespmem:s19], [sflag:$0x1] =	stream.indirect_vreg.gather [hbm4b:s1+s3], $0x80, v3, vm0, $0xb8;
	[tilespmem:$0x18200] =	vst v63  }
0x168: {  	_ = 	snop  }
0x169: {  	[tilespmem:s20], [sflag:$0x1] =	stream.indirect_vreg.gather [hbm4b:s5+s3], $0x80, v3, vm0, $0xb8;
	[tilespmem:$0x18200] =	vst v63  }
0x16a: {  	_ = 	snop  }
0x16b: {  	[tilespmem:s21], [sflag:$0x1] =	stream.indirect_vreg.gather [hbm4b:s6+s3], $0x80, v3, vm0, $0xb8;
	[tilespmem:$0x18200] =	vst v63  }
0x16c: {  	_ = 	snop  }
0x16d: {  	[tilespmem:s22], [sflag:$0x1] =	stream.indirect_vreg.gather [hbm4b:s7+s3], $0x80, v3, vm0, $0xb8;
	[tilespmem:$0x18200] =	vst v63  }
0x16e: {  	_ =	swait.ge [sflag:s28], $0x8000  }
0x16f: {  	[sflag:s28] =	ssyncset.done $0x0  }
0x170: {  	s9 =	rddreg [dreg:$0x9];
	[sflag:s28] =	ssyncadd.s32 $0xFFFF8000  }
0x171: {  	[hbm4b:s9+s3] =	stream.linear.scatter [tilespmem:s29], [sflag:$0x5], $0x8000, $0x38;
	[tilespmem:$0x18200] =	vst v63  }
0x172: {  	_ =	swait.ge [sflag:s30], $0x8000  }
0x173: {  	[sflag:s30] =	ssyncset.done $0x0  }
0x174: {  	[sflag:s30] =	ssyncadd.s32 $0xFFFF8000  }
0x175: {  	v3 =	vld [tilespmem:$0xE0];
	_ =	sdelay $0x4  }
0x176: {  	v46 =	vshll.u32 v3, $0x3  }
0x177: {  	v3 =	vand.u32 $0x7, v3;
	v4 =	vand.u32 $0xFFFFFFC0, v46  }
0x178: {  	v3 =	vor.u32 v3, v4  }
0x179: {  	v4 =	vperm.xlane v3, v0;
	_ =	sdelay $0x1  }
0x17a: {  	v4 =	vadd.s32 v1, v4;
	_ =	sdelay $0x4  }
0x17b: {  	[tilespmem:s29], [sflag:$0x2] =	stream.indirect_vreg.gather [hbm4b:s1+s3], $0x80, v4, vm0, $0xb8;
	[tilespmem:$0x18200] =	vst v63  }
0x17c: {  	s9 =	simm.s32 $0x8A00;
	v3 =	vperm.xlane v3, v2  }
0x17d: {  	[tilespmem:s9], [sflag:$0x2] =	stream.indirect_vreg.gather [hbm4b:s5+s3], $0x80, v4, vm0, $0xb8;
	[tilespmem:$0x18200] =	vst v63  }
0x17e: {  	v3 =	vadd.s32 v1, v3;
	s9 =	simm.s32 $0x9200  }
0x17f: {  	[tilespmem:s9], [sflag:$0x2] =	stream.indirect_vreg.gather [hbm4b:s6+s3], $0x80, v4, vm0, $0xb8;
	[tilespmem:$0x18200] =	vst v63  }
0x180: {  	s9 =	simm.s32 $0x9A00  }
0x181: {  	[tilespmem:s9], [sflag:$0x2] =	stream.indirect_vreg.gather [hbm4b:s7+s3], $0x80, v4, vm0, $0xb8;
	[tilespmem:$0x18200] =	vst v63  }
0x182: {  	s9 =	simm.s32 $0xA200  }
0x183: {  	[tilespmem:s9], [sflag:$0x2] =	stream.indirect_vreg.gather [hbm4b:s1+s3], $0x80, v3, vm0, $0xb8;
	[tilespmem:$0x18200] =	vst v63  }
0x184: {  	s9 =	simm.s32 $0xAA00  }
0x185: {  	[tilespmem:s9], [sflag:$0x2] =	stream.indirect_vreg.gather [hbm4b:s5+s3], $0x80, v3, vm0, $0xb8;
	[tilespmem:$0x18200] =	vst v63  }
0x186: {  	s9 =	simm.s32 $0xB200  }
0x187: {  	[tilespmem:s9], [sflag:$0x2] =	stream.indirect_vreg.gather [hbm4b:s6+s3], $0x80, v3, vm0, $0xb8;
	[tilespmem:$0x18200] =	vst v63  }
0x188: {  	s9 =	simm.s32 $0xBA00  }
0x189: {  	[tilespmem:s9], [sflag:$0x2] =	stream.indirect_vreg.gather [hbm4b:s7+s3], $0x80, v3, vm0, $0xb8;
	[tilespmem:$0x18200] =	vst v63  }
0x18a: {  	v3 =	vld [tilespmem:$0xF0];
	_ =	sdelay $0x4  }
0x18b: {  	v47 =	vshll.u32 v3, $0x3  }
0x18c: {  	v3 =	vand.u32 $0x7, v3;
	v4 =	vand.u32 $0xFFFFFFC0, v47  }
0x18d: {  	v3 =	vor.u32 v3, v4  }
0x18e: {  	v4 =	vperm.xlane v3, v0;
	_ =	sdelay $0x1  }
0x18f: {  	v4 =	vadd.s32 v1, v4;
	_ =	sdelay $0x3  }
0x190: {  	s9 =	simm.s32 $0xC200  }
0x191: {  	[tilespmem:s9], [sflag:$0x2] =	stream.indirect_vreg.gather [hbm4b:s1+s3], $0x80, v4, vm0, $0xb8;
	[tilespmem:$0x18200] =	vst v63  }
0x192: {  	v3 =	vperm.xlane v3, v2;
	s9 =	simm.s32 $0xCA00  }
0x193: {  	[tilespmem:s9], [sflag:$0x2] =	stream.indirect_vreg.gather [hbm4b:s5+s3], $0x80, v4, vm0, $0xb8;
	[tilespmem:$0x18200] =	vst v63  }
0x194: {  	v3 =	vadd.s32 v1, v3;
	s9 =	simm.s32 $0xD200  }
0x195: {  	[tilespmem:s9], [sflag:$0x2] =	stream.indirect_vreg.gather [hbm4b:s6+s3], $0x80, v4, vm0, $0xb8;
	[tilespmem:$0x18200] =	vst v63  }
0x196: {  	s9 =	simm.s32 $0xDA00  }
0x197: {  	[tilespmem:s9], [sflag:$0x2] =	stream.indirect_vreg.gather [hbm4b:s7+s3], $0x80, v4, vm0, $0xb8;
	[tilespmem:$0x18200] =	vst v63  }
0x198: {  	s9 =	simm.s32 $0xE200  }
0x199: {  	[tilespmem:s9], [sflag:$0x2] =	stream.indirect_vreg.gather [hbm4b:s1+s3], $0x80, v3, vm0, $0xb8;
	[tilespmem:$0x18200] =	vst v63  }
0x19a: {  	s9 =	simm.s32 $0xEA00  }
0x19b: {  	[tilespmem:s9], [sflag:$0x2] =	stream.indirect_vreg.gather [hbm4b:s5+s3], $0x80, v3, vm0, $0xb8;
	[tilespmem:$0x18200] =	vst v63  }
0x19c: {  	s9 =	simm.s32 $0xF200  }
0x19d: {  	[tilespmem:s9], [sflag:$0x2] =	stream.indirect_vreg.gather [hbm4b:s6+s3], $0x80, v3, vm0, $0xb8;
	[tilespmem:$0x18200] =	vst v63  }
0x19e: {  	s9 =	simm.s32 $0xFA00  }
0x19f: {  	[tilespmem:s9], [sflag:$0x2] =	stream.indirect_vreg.gather [hbm4b:s7+s3], $0x80, v3, vm0, $0xb8;
	[tilespmem:$0x18200] =	vst v63  }
0x1a0: {  	_ =	swait.ge [sflag:s31], $0x8000  }
0x1a1: {  	[sflag:s31] =	ssyncset.done $0x0  }
0x1a2: {  	s9 =	rddreg [dreg:$0xa];
	[sflag:s31] =	ssyncadd.s32 $0xFFFF8000  }
0x1a3: {  	[hbm4b:s9+s3] =	stream.linear.scatter [tilespmem:s10], [sflag:$0x6], $0x8000, $0x38;
	[tilespmem:$0x18200] =	vst v63  }
0x1a4: {  	_ =	swait.ge [sflag:s2], $0x8000  }
0x1a5: {  	[sflag:s2] =	ssyncset.done $0x0  }
0x1a6: {  	[sflag:s2] =	ssyncadd.s32 $0xFFFF8000  }
0x1a7: {  	v3 =	vld [tilespmem:$0x100];
	_ =	sdelay $0x4  }
0x1a8: {  	v48 =	vshll.u32 v3, $0x3  }
0x1a9: {  	v3 =	vand.u32 $0x7, v3;
	v4 =	vand.u32 $0xFFFFFFC0, v48  }
0x1aa: {  	v3 =	vor.u32 v3, v4  }
0x1ab: {  	v4 =	vperm.xlane v3, v0;
	_ =	sdelay $0x1  }
0x1ac: {  	v4 =	vadd.s32 v1, v4;
	_ =	sdelay $0x4  }
0x1ad: {  	[tilespmem:s10], [sflag:$0x3] =	stream.indirect_vreg.gather [hbm4b:s1+s3], $0x80, v4, vm0, $0xb8;
	[tilespmem:$0x18200] =	vst v63  }
0x1ae: {  	s9 =	simm.s32 $0x10A00;
	v3 =	vperm.xlane v3, v2  }
0x1af: {  	[tilespmem:s9], [sflag:$0x3] =	stream.indirect_vreg.gather [hbm4b:s5+s3], $0x80, v4, vm0, $0xb8;
	[tilespmem:$0x18200] =	vst v63  }
0x1b0: {  	v3 =	vadd.s32 v1, v3;
	s9 =	simm.s32 $0x11200  }
0x1b1: {  	[tilespmem:s9], [sflag:$0x3] =	stream.indirect_vreg.gather [hbm4b:s6+s3], $0x80, v4, vm0, $0xb8;
	[tilespmem:$0x18200] =	vst v63  }
0x1b2: {  	s9 =	simm.s32 $0x11A00  }
0x1b3: {  	[tilespmem:s9], [sflag:$0x3] =	stream.indirect_vreg.gather [hbm4b:s7+s3], $0x80, v4, vm0, $0xb8;
	[tilespmem:$0x18200] =	vst v63  }
0x1b4: {  	s9 =	simm.s32 $0x12200  }
0x1b5: {  	[tilespmem:s9], [sflag:$0x3] =	stream.indirect_vreg.gather [hbm4b:s1+s3], $0x80, v3, vm0, $0xb8;
	[tilespmem:$0x18200] =	vst v63  }
0x1b6: {  	s9 =	simm.s32 $0x12A00  }
0x1b7: {  	[tilespmem:s9], [sflag:$0x3] =	stream.indirect_vreg.gather [hbm4b:s5+s3], $0x80, v3, vm0, $0xb8;
	[tilespmem:$0x18200] =	vst v63  }
0x1b8: {  	s9 =	simm.s32 $0x13200  }
0x1b9: {  	[tilespmem:s9], [sflag:$0x3] =	stream.indirect_vreg.gather [hbm4b:s6+s3], $0x80, v3, vm0, $0xb8;
	[tilespmem:$0x18200] =	vst v63  }
0x1ba: {  	s9 =	simm.s32 $0x13A00  }
0x1bb: {  	[tilespmem:s9], [sflag:$0x3] =	stream.indirect_vreg.gather [hbm4b:s7+s3], $0x80, v3, vm0, $0xb8;
	[tilespmem:$0x18200] =	vst v63  }
0x1bc: {  	v3 =	vld [tilespmem:$0x110];
	_ =	sdelay $0x4  }
0x1bd: {  	v49 =	vshll.u32 v3, $0x3  }
0x1be: {  	v3 =	vand.u32 $0x7, v3;
	v4 =	vand.u32 $0xFFFFFFC0, v49  }
0x1bf: {  	v3 =	vor.u32 v3, v4  }
0x1c0: {  	v4 =	vperm.xlane v3, v0;
	_ =	sdelay $0x1  }
0x1c1: {  	v4 =	vadd.s32 v1, v4;
	_ =	sdelay $0x3  }
0x1c2: {  	s9 =	simm.s32 $0x14200  }
0x1c3: {  	[tilespmem:s9], [sflag:$0x3] =	stream.indirect_vreg.gather [hbm4b:s1+s3], $0x80, v4, vm0, $0xb8;
	[tilespmem:$0x18200] =	vst v63  }
0x1c4: {  	v3 =	vperm.xlane v3, v2;
	s9 =	simm.s32 $0x14A00  }
0x1c5: {  	[tilespmem:s9], [sflag:$0x3] =	stream.indirect_vreg.gather [hbm4b:s5+s3], $0x80, v4, vm0, $0xb8;
	[tilespmem:$0x18200] =	vst v63  }
0x1c6: {  	v3 =	vadd.s32 v1, v3;
	s9 =	simm.s32 $0x15200  }
0x1c7: {  	[tilespmem:s9], [sflag:$0x3] =	stream.indirect_vreg.gather [hbm4b:s6+s3], $0x80, v4, vm0, $0xb8;
	[tilespmem:$0x18200] =	vst v63  }
0x1c8: {  	s9 =	simm.s32 $0x15A00  }
0x1c9: {  	[tilespmem:s9], [sflag:$0x3] =	stream.indirect_vreg.gather [hbm4b:s7+s3], $0x80, v4, vm0, $0xb8;
	[tilespmem:$0x18200] =	vst v63  }
0x1ca: {  	s9 =	simm.s32 $0x16200  }
0x1cb: {  	[tilespmem:s9], [sflag:$0x3] =	stream.indirect_vreg.gather [hbm4b:s1+s3], $0x80, v3, vm0, $0xb8;
	[tilespmem:$0x18200] =	vst v63  }
0x1cc: {  	s9 =	simm.s32 $0x16A00  }
0x1cd: {  	[tilespmem:s9], [sflag:$0x3] =	stream.indirect_vreg.gather [hbm4b:s5+s3], $0x80, v3, vm0, $0xb8;
	[tilespmem:$0x18200] =	vst v63  }
0x1ce: {  	s9 =	simm.s32 $0x17200  }
0x1cf: {  	[tilespmem:s9], [sflag:$0x3] =	stream.indirect_vreg.gather [hbm4b:s6+s3], $0x80, v3, vm0, $0xb8;
	[tilespmem:$0x18200] =	vst v63  }
0x1d0: {  	s9 =	simm.s32 $0x17A00  }
0x1d1: {  	[tilespmem:s9], [sflag:$0x3] =	stream.indirect_vreg.gather [hbm4b:s7+s3], $0x80, v3, vm0, $0xb8;
	[tilespmem:$0x18200] =	vst v63  }
0x1d2: {  	_ =	swait.ge [sflag:s0], $0x8000  }
0x1d3: {  	[sflag:s0] =	ssyncset.done $0x0  }
0x1d4: {  	s9 =	rddreg [dreg:$0xb];
	[sflag:s0] =	ssyncadd.s32 $0xFFFF8000  }
0x1d5: {  	[hbm4b:s9+s3] =	stream.linear.scatter [tilespmem:s23], [sflag:$0x4], $0x8000, $0x38;
	[tilespmem:$0x18200] =	vst v63  }
0x1d6: {  	_ =	swait.ge [sflag:s4], $0x8000  }
0x1d7: {  	[sflag:s4] =	ssyncset.done $0x0  }
0x1d8: {  	[sflag:s4] =	ssyncadd.s32 $0xFFFF8000  }
0x1d9: {  	v3 =	vld [tilespmem:$0x120];
	_ =	sdelay $0x4  }
0x1da: {  	v50 =	vshll.u32 v3, $0x3  }
0x1db: {  	v3 =	vand.u32 $0x7, v3;
	v4 =	vand.u32 $0xFFFFFFC0, v50  }
0x1dc: {  	v3 =	vor.u32 v3, v4  }
0x1dd: {  	v4 =	vperm.xlane v3, v0;
	_ =	sdelay $0x1  }
0x1de: {  	v4 =	vadd.s32 v1, v4;
	_ =	sdelay $0x4  }
0x1df: {  	[tilespmem:s23], [sflag:$0x1] =	stream.indirect_vreg.gather [hbm4b:s1+s3], $0x80, v4, vm0, $0xb8;
	[tilespmem:$0x18200] =	vst v63  }
0x1e0: {  	s12 =	simm.s32 $0xA00;
	v3 =	vperm.xlane v3, v2  }
0x1e1: {  	[tilespmem:s12], [sflag:$0x1] =	stream.indirect_vreg.gather [hbm4b:s5+s3], $0x80, v4, vm0, $0xb8;
	[tilespmem:$0x18200] =	vst v63  }
0x1e2: {  	s11 =	simm.s32 $0x1200;
	v3 =	vadd.s32 v1, v3  }
0x1e3: {  	[tilespmem:s11], [sflag:$0x1] =	stream.indirect_vreg.gather [hbm4b:s6+s3], $0x80, v4, vm0, $0xb8;
	[tilespmem:$0x18200] =	vst v63  }
0x1e4: {  	s24 =	simm.s32 $0x1A00  }
0x1e5: {  	[tilespmem:s24], [sflag:$0x1] =	stream.indirect_vreg.gather [hbm4b:s7+s3], $0x80, v4, vm0, $0xb8;
	[tilespmem:$0x18200] =	vst v63  }
0x1e6: {  	s14 =	simm.s32 $0x2200  }
0x1e7: {  	[tilespmem:s14], [sflag:$0x1] =	stream.indirect_vreg.gather [hbm4b:s1+s3], $0x80, v3, vm0, $0xb8;
	[tilespmem:$0x18200] =	vst v63  }
0x1e8: {  	s15 =	simm.s32 $0x2A00  }
0x1e9: {  	[tilespmem:s15], [sflag:$0x1] =	stream.indirect_vreg.gather [hbm4b:s5+s3], $0x80, v3, vm0, $0xb8;
	[tilespmem:$0x18200] =	vst v63  }
0x1ea: {  	s16 =	simm.s32 $0x3200  }
0x1eb: {  	[tilespmem:s16], [sflag:$0x1] =	stream.indirect_vreg.gather [hbm4b:s6+s3], $0x80, v3, vm0, $0xb8;
	[tilespmem:$0x18200] =	vst v63  }
0x1ec: {  	s13 =	simm.s32 $0x3A00  }
0x1ed: {  	[tilespmem:s13], [sflag:$0x1] =	stream.indirect_vreg.gather [hbm4b:s7+s3], $0x80, v3, vm0, $0xb8;
	[tilespmem:$0x18200] =	vst v63  }
0x1ee: {  	v3 =	vld [tilespmem:$0x130];
	_ =	sdelay $0x4  }
0x1ef: {  	v51 =	vshll.u32 v3, $0x3  }
0x1f0: {  	v3 =	vand.u32 $0x7, v3;
	v4 =	vand.u32 $0xFFFFFFC0, v51  }
0x1f1: {  	v3 =	vor.u32 v3, v4  }
0x1f2: {  	v4 =	vperm.xlane v3, v0;
	_ =	sdelay $0x1  }
0x1f3: {  	v4 =	vadd.s32 v1, v4;
	_ =	sdelay $0x3  }
0x1f4: {  	s25 =	simm.s32 $0x4200  }
0x1f5: {  	[tilespmem:s25], [sflag:$0x1] =	stream.indirect_vreg.gather [hbm4b:s1+s3], $0x80, v4, vm0, $0xb8;
	[tilespmem:$0x18200] =	vst v63  }
0x1f6: {  	s26 =	simm.s32 $0x4A00;
	v3 =	vperm.xlane v3, v2  }
0x1f7: {  	[tilespmem:s26], [sflag:$0x1] =	stream.indirect_vreg.gather [hbm4b:s5+s3], $0x80, v4, vm0, $0xb8;
	[tilespmem:$0x18200] =	vst v63  }
0x1f8: {  	s17 =	simm.s32 $0x5200;
	v3 =	vadd.s32 v1, v3  }
0x1f9: {  	[tilespmem:s17], [sflag:$0x1] =	stream.indirect_vreg.gather [hbm4b:s6+s3], $0x80, v4, vm0, $0xb8;
	[tilespmem:$0x18200] =	vst v63  }
0x1fa: {  	s18 =	simm.s32 $0x5A00  }
0x1fb: {  	[tilespmem:s18], [sflag:$0x1] =	stream.indirect_vreg.gather [hbm4b:s7+s3], $0x80, v4, vm0, $0xb8;
	[tilespmem:$0x18200] =	vst v63  }
0x1fc: {  	s19 =	simm.s32 $0x6200  }
0x1fd: {  	[tilespmem:s19], [sflag:$0x1] =	stream.indirect_vreg.gather [hbm4b:s1+s3], $0x80, v3, vm0, $0xb8;
	[tilespmem:$0x18200] =	vst v63  }
0x1fe: {  	s20 =	simm.s32 $0x6A00  }
0x1ff: {  	[tilespmem:s20], [sflag:$0x1] =	stream.indirect_vreg.gather [hbm4b:s5+s3], $0x80, v3, vm0, $0xb8;
	[tilespmem:$0x18200] =	vst v63  }
0x200: {  	s21 =	simm.s32 $0x7200  }
0x201: {  	[tilespmem:s21], [sflag:$0x1] =	stream.indirect_vreg.gather [hbm4b:s6+s3], $0x80, v3, vm0, $0xb8;
	[tilespmem:$0x18200] =	vst v63  }
0x202: {  	s22 =	simm.s32 $0x7A00  }
0x203: {  	[tilespmem:s22], [sflag:$0x1] =	stream.indirect_vreg.gather [hbm4b:s7+s3], $0x80, v3, vm0, $0xb8;
	[tilespmem:$0x18200] =	vst v63  }
0x204: {  	_ =	swait.ge [sflag:s28], $0x8000  }
0x205: {  	[sflag:s28] =	ssyncset.done $0x0  }
0x206: {  	s22 =	rddreg [dreg:$0xc];
	[sflag:s28] =	ssyncadd.s32 $0xFFFF8000  }
0x207: {  	[hbm4b:s22+s3] =	stream.linear.scatter [tilespmem:s29], [sflag:$0x5], $0x8000, $0x38;
	[tilespmem:$0x18200] =	vst v63  }
0x208: {  	_ =	swait.ge [sflag:s30], $0x8000  }
0x209: {  	[sflag:s30] =	ssyncset.done $0x0  }
0x20a: {  	[sflag:s30] =	ssyncadd.s32 $0xFFFF8000  }
0x20b: {  	v3 =	vld [tilespmem:$0x140];
	_ =	sdelay $0x4  }
0x20c: {  	v52 =	vshll.u32 v3, $0x3  }
0x20d: {  	v3 =	vand.u32 $0x7, v3;
	v4 =	vand.u32 $0xFFFFFFC0, v52  }
0x20e: {  	v3 =	vor.u32 v3, v4  }
0x20f: {  	v4 =	vperm.xlane v3, v0;
	_ =	sdelay $0x1  }
0x210: {  	v4 =	vadd.s32 v1, v4;
	_ =	sdelay $0x4  }
0x211: {  	[tilespmem:s29], [sflag:$0x2] =	stream.indirect_vreg.gather [hbm4b:s1+s3], $0x80, v4, vm0, $0xb8;
	[tilespmem:$0x18200] =	vst v63  }
0x212: {  	s13 =	simm.s32 $0x8A00;
	v3 =	vperm.xlane v3, v2  }
0x213: {  	[tilespmem:s13], [sflag:$0x2] =	stream.indirect_vreg.gather [hbm4b:s5+s3], $0x80, v4, vm0, $0xb8;
	[tilespmem:$0x18200] =	vst v63  }
0x214: {  	s15 =	simm.s32 $0x9200;
	v3 =	vadd.s32 v1, v3  }
0x215: {  	[tilespmem:s15], [sflag:$0x2] =	stream.indirect_vreg.gather [hbm4b:s6+s3], $0x80, v4, vm0, $0xb8;
	[tilespmem:$0x18200] =	vst v63  }
0x216: {  	s17 =	simm.s32 $0x9A00  }
0x217: {  	[tilespmem:s17], [sflag:$0x2] =	stream.indirect_vreg.gather [hbm4b:s7+s3], $0x80, v4, vm0, $0xb8;
	[tilespmem:$0x18200] =	vst v63  }
0x218: {  	s18 =	simm.s32 $0xA200  }
0x219: {  	[tilespmem:s18], [sflag:$0x2] =	stream.indirect_vreg.gather [hbm4b:s1+s3], $0x80, v3, vm0, $0xb8;
	[tilespmem:$0x18200] =	vst v63  }
0x21a: {  	s22 =	simm.s32 $0xAA00  }
0x21b: {  	[tilespmem:s22], [sflag:$0x2] =	stream.indirect_vreg.gather [hbm4b:s5+s3], $0x80, v3, vm0, $0xb8;
	[tilespmem:$0x18200] =	vst v63  }
0x21c: {  	s13 =	simm.s32 $0xB200  }
0x21d: {  	[tilespmem:s13], [sflag:$0x2] =	stream.indirect_vreg.gather [hbm4b:s6+s3], $0x80, v3, vm0, $0xb8;
	[tilespmem:$0x18200] =	vst v63  }
0x21e: {  	s15 =	simm.s32 $0xBA00  }
0x21f: {  	[tilespmem:s15], [sflag:$0x2] =	stream.indirect_vreg.gather [hbm4b:s7+s3], $0x80, v3, vm0, $0xb8;
	[tilespmem:$0x18200] =	vst v63  }
0x220: {  	v3 =	vld [tilespmem:$0x150];
	_ =	sdelay $0x4  }
0x221: {  	v53 =	vshll.u32 v3, $0x3  }
0x222: {  	v3 =	vand.u32 $0x7, v3;
	v4 =	vand.u32 $0xFFFFFFC0, v53  }
0x223: {  	v3 =	vor.u32 v3, v4  }
0x224: {  	v4 =	vperm.xlane v3, v0;
	_ =	sdelay $0x1  }
0x225: {  	v4 =	vadd.s32 v1, v4;
	_ =	sdelay $0x3  }
0x226: {  	s17 =	simm.s32 $0xC200  }
0x227: {  	[tilespmem:s17], [sflag:$0x2] =	stream.indirect_vreg.gather [hbm4b:s1+s3], $0x80, v4, vm0, $0xb8;
	[tilespmem:$0x18200] =	vst v63  }
0x228: {  	s18 =	simm.s32 $0xCA00;
	v3 =	vperm.xlane v3, v2  }
0x229: {  	[tilespmem:s18], [sflag:$0x2] =	stream.indirect_vreg.gather [hbm4b:s5+s3], $0x80, v4, vm0, $0xb8;
	[tilespmem:$0x18200] =	vst v63  }
0x22a: {  	s22 =	simm.s32 $0xD200;
	v3 =	vadd.s32 v1, v3  }
0x22b: {  	[tilespmem:s22], [sflag:$0x2] =	stream.indirect_vreg.gather [hbm4b:s6+s3], $0x80, v4, vm0, $0xb8;
	[tilespmem:$0x18200] =	vst v63  }
0x22c: {  	s13 =	simm.s32 $0xDA00  }
0x22d: {  	[tilespmem:s13], [sflag:$0x2] =	stream.indirect_vreg.gather [hbm4b:s7+s3], $0x80, v4, vm0, $0xb8;
	[tilespmem:$0x18200] =	vst v63  }
0x22e: {  	s15 =	simm.s32 $0xE200  }
0x22f: {  	[tilespmem:s15], [sflag:$0x2] =	stream.indirect_vreg.gather [hbm4b:s1+s3], $0x80, v3, vm0, $0xb8;
	[tilespmem:$0x18200] =	vst v63  }
0x230: {  	s17 =	simm.s32 $0xEA00  }
0x231: {  	[tilespmem:s17], [sflag:$0x2] =	stream.indirect_vreg.gather [hbm4b:s5+s3], $0x80, v3, vm0, $0xb8;
	[tilespmem:$0x18200] =	vst v63  }
0x232: {  	s18 =	simm.s32 $0xF200  }
0x233: {  	[tilespmem:s18], [sflag:$0x2] =	stream.indirect_vreg.gather [hbm4b:s6+s3], $0x80, v3, vm0, $0xb8;
	[tilespmem:$0x18200] =	vst v63  }
0x234: {  	s22 =	simm.s32 $0xFA00  }
0x235: {  	[tilespmem:s22], [sflag:$0x2] =	stream.indirect_vreg.gather [hbm4b:s7+s3], $0x80, v3, vm0, $0xb8;
	[tilespmem:$0x18200] =	vst v63  }
0x236: {  	_ =	swait.ge [sflag:s31], $0x8000  }
0x237: {  	[sflag:s31] =	ssyncset.done $0x0  }
0x238: {  	s13 =	rddreg [dreg:$0xd];
	[sflag:s31] =	ssyncadd.s32 $0xFFFF8000  }
0x239: {  	[hbm4b:s13+s3] =	stream.linear.scatter [tilespmem:s10], [sflag:$0x6], $0x8000, $0x38;
	[tilespmem:$0x18200] =	vst v63  }
0x23a: {  	_ =	swait.ge [sflag:s2], $0x8000  }
0x23b: {  	[sflag:s2] =	ssyncset.done $0x0  }
0x23c: {  	[sflag:s2] =	ssyncadd.s32 $0xFFFF8000  }
0x23d: {  	v3 =	vld [tilespmem:$0x160];
	_ =	sdelay $0x4  }
0x23e: {  	v54 =	vshll.u32 v3, $0x3  }
0x23f: {  	v3 =	vand.u32 $0x7, v3;
	v4 =	vand.u32 $0xFFFFFFC0, v54  }
0x240: {  	v3 =	vor.u32 v3, v4  }
0x241: {  	v4 =	vperm.xlane v3, v0;
	_ =	sdelay $0x1  }
0x242: {  	v4 =	vadd.s32 v1, v4;
	_ =	sdelay $0x4  }
0x243: {  	[tilespmem:s10], [sflag:$0x3] =	stream.indirect_vreg.gather [hbm4b:s1+s3], $0x80, v4, vm0, $0xb8;
	[tilespmem:$0x18200] =	vst v63  }
0x244: {  	s15 =	simm.s32 $0x10A00;
	v3 =	vperm.xlane v3, v2  }
0x245: {  	[tilespmem:s15], [sflag:$0x3] =	stream.indirect_vreg.gather [hbm4b:s5+s3], $0x80, v4, vm0, $0xb8;
	[tilespmem:$0x18200] =	vst v63  }
0x246: {  	s17 =	simm.s32 $0x11200;
	v3 =	vadd.s32 v1, v3  }
0x247: {  	[tilespmem:s17], [sflag:$0x3] =	stream.indirect_vreg.gather [hbm4b:s6+s3], $0x80, v4, vm0, $0xb8;
	[tilespmem:$0x18200] =	vst v63  }
0x248: {  	s18 =	simm.s32 $0x11A00  }
0x249: {  	[tilespmem:s18], [sflag:$0x3] =	stream.indirect_vreg.gather [hbm4b:s7+s3], $0x80, v4, vm0, $0xb8;
	[tilespmem:$0x18200] =	vst v63  }
0x24a: {  	s22 =	simm.s32 $0x12200  }
0x24b: {  	[tilespmem:s22], [sflag:$0x3] =	stream.indirect_vreg.gather [hbm4b:s1+s3], $0x80, v3, vm0, $0xb8;
	[tilespmem:$0x18200] =	vst v63  }
0x24c: {  	s13 =	simm.s32 $0x12A00  }
0x24d: {  	[tilespmem:s13], [sflag:$0x3] =	stream.indirect_vreg.gather [hbm4b:s5+s3], $0x80, v3, vm0, $0xb8;
	[tilespmem:$0x18200] =	vst v63  }
0x24e: {  	s15 =	simm.s32 $0x13200  }
0x24f: {  	[tilespmem:s15], [sflag:$0x3] =	stream.indirect_vreg.gather [hbm4b:s6+s3], $0x80, v3, vm0, $0xb8;
	[tilespmem:$0x18200] =	vst v63  }
0x250: {  	s17 =	simm.s32 $0x13A00  }
0x251: {  	[tilespmem:s17], [sflag:$0x3] =	stream.indirect_vreg.gather [hbm4b:s7+s3], $0x80, v3, vm0, $0xb8;
	[tilespmem:$0x18200] =	vst v63  }
0x252: {  	v3 =	vld [tilespmem:$0x170];
	_ =	sdelay $0x4  }
0x253: {  	v55 =	vshll.u32 v3, $0x3  }
0x254: {  	v3 =	vand.u32 $0x7, v3;
	v4 =	vand.u32 $0xFFFFFFC0, v55  }
0x255: {  	v3 =	vor.u32 v3, v4  }
0x256: {  	v4 =	vperm.xlane v3, v0;
	_ =	sdelay $0x1  }
0x257: {  	v4 =	vadd.s32 v1, v4;
	_ =	sdelay $0x3  }
0x258: {  	s18 =	simm.s32 $0x14200  }
0x259: {  	[tilespmem:s18], [sflag:$0x3] =	stream.indirect_vreg.gather [hbm4b:s1+s3], $0x80, v4, vm0, $0xb8;
	[tilespmem:$0x18200] =	vst v63  }
0x25a: {  	s22 =	simm.s32 $0x14A00;
	v3 =	vperm.xlane v3, v2  }
0x25b: {  	[tilespmem:s22], [sflag:$0x3] =	stream.indirect_vreg.gather [hbm4b:s5+s3], $0x80, v4, vm0, $0xb8;
	[tilespmem:$0x18200] =	vst v63  }
0x25c: {  	s13 =	simm.s32 $0x15200;
	v3 =	vadd.s32 v1, v3  }
0x25d: {  	[tilespmem:s13], [sflag:$0x3] =	stream.indirect_vreg.gather [hbm4b:s6+s3], $0x80, v4, vm0, $0xb8;
	[tilespmem:$0x18200] =	vst v63  }
0x25e: {  	s15 =	simm.s32 $0x15A00  }
0x25f: {  	[tilespmem:s15], [sflag:$0x3] =	stream.indirect_vreg.gather [hbm4b:s7+s3], $0x80, v4, vm0, $0xb8;
	[tilespmem:$0x18200] =	vst v63  }
0x260: {  	s17 =	simm.s32 $0x16200  }
0x261: {  	[tilespmem:s17], [sflag:$0x3] =	stream.indirect_vreg.gather [hbm4b:s1+s3], $0x80, v3, vm0, $0xb8;
	[tilespmem:$0x18200] =	vst v63  }
0x262: {  	s18 =	simm.s32 $0x16A00  }
0x263: {  	[tilespmem:s18], [sflag:$0x3] =	stream.indirect_vreg.gather [hbm4b:s5+s3], $0x80, v3, vm0, $0xb8;
	[tilespmem:$0x18200] =	vst v63  }
0x264: {  	s22 =	simm.s32 $0x17200  }
0x265: {  	[tilespmem:s22], [sflag:$0x3] =	stream.indirect_vreg.gather [hbm4b:s6+s3], $0x80, v3, vm0, $0xb8;
	[tilespmem:$0x18200] =	vst v63  }
0x266: {  	s13 =	simm.s32 $0x17A00  }
0x267: {  	[tilespmem:s13], [sflag:$0x3] =	stream.indirect_vreg.gather [hbm4b:s7+s3], $0x80, v3, vm0, $0xb8;
	[tilespmem:$0x18200] =	vst v63  }
0x268: {  	_ =	swait.ge [sflag:s0], $0x8000  }
0x269: {  	[sflag:s0] =	ssyncset.done $0x0  }
0x26a: {  	s15 =	rddreg [dreg:$0xe];
	[sflag:s0] =	ssyncadd.s32 $0xFFFF8000  }
0x26b: {  	[hbm4b:s15+s3] =	stream.linear.scatter [tilespmem:s23], [sflag:$0x4], $0x8000, $0x38;
	[tilespmem:$0x18200] =	vst v63  }
0x26c: {  	_ =	swait.ge [sflag:s4], $0x8000  }
0x26d: {  	[sflag:s4] =	ssyncset.done $0x0  }
0x26e: {  	[sflag:s4] =	ssyncadd.s32 $0xFFFF8000  }
0x26f: {  	v3 =	vld [tilespmem:$0x180];
	_ =	sdelay $0x4  }
0x270: {  	v56 =	vshll.u32 v3, $0x3  }
0x271: {  	v3 =	vand.u32 $0x7, v3;
	v4 =	vand.u32 $0xFFFFFFC0, v56  }
0x272: {  	v3 =	vor.u32 v3, v4  }
0x273: {  	v4 =	vperm.xlane v3, v0;
	_ =	sdelay $0x1  }
0x274: {  	v4 =	vadd.s32 v1, v4;
	_ =	sdelay $0x4  }
0x275: {  	[tilespmem:s23], [sflag:$0x1] =	stream.indirect_vreg.gather [hbm4b:s1+s3], $0x80, v4, vm0, $0xb8;
	[tilespmem:$0x18200] =	vst v63  }
0x276: {  	s17 =	simm.s32 $0xA00;
	v3 =	vperm.xlane v3, v2  }
0x277: {  	[tilespmem:s17], [sflag:$0x1] =	stream.indirect_vreg.gather [hbm4b:s5+s3], $0x80, v4, vm0, $0xb8;
	[tilespmem:$0x18200] =	vst v63  }
0x278: {  	s11 =	simm.s32 $0x1200;
	v3 =	vadd.s32 v1, v3  }
0x279: {  	[tilespmem:s11], [sflag:$0x1] =	stream.indirect_vreg.gather [hbm4b:s6+s3], $0x80, v4, vm0, $0xb8;
	[tilespmem:$0x18200] =	vst v63  }
0x27a: {  	s12 =	simm.s32 $0x1A00  }
0x27b: {  	[tilespmem:s12], [sflag:$0x1] =	stream.indirect_vreg.gather [hbm4b:s7+s3], $0x80, v4, vm0, $0xb8;
	[tilespmem:$0x18200] =	vst v63  }
0x27c: {  	s24 =	simm.s32 $0x2200  }
0x27d: {  	[tilespmem:s24], [sflag:$0x1] =	stream.indirect_vreg.gather [hbm4b:s1+s3], $0x80, v3, vm0, $0xb8;
	[tilespmem:$0x18200] =	vst v63  }
0x27e: {  	s18 =	simm.s32 $0x2A00  }
0x27f: {  	[tilespmem:s18], [sflag:$0x1] =	stream.indirect_vreg.gather [hbm4b:s5+s3], $0x80, v3, vm0, $0xb8;
	[tilespmem:$0x18200] =	vst v63  }
0x280: {  	s24 =	simm.s32 $0x3200  }
0x281: {  	[tilespmem:s24], [sflag:$0x1] =	stream.indirect_vreg.gather [hbm4b:s6+s3], $0x80, v3, vm0, $0xb8;
	[tilespmem:$0x18200] =	vst v63  }
0x282: {  	s16 =	simm.s32 $0x3A00  }
0x283: {  	[tilespmem:s16], [sflag:$0x1] =	stream.indirect_vreg.gather [hbm4b:s7+s3], $0x80, v3, vm0, $0xb8;
	[tilespmem:$0x18200] =	vst v63  }
0x284: {  	v3 =	vld [tilespmem:$0x190];
	_ =	sdelay $0x4  }
0x285: {  	v57 =	vshll.u32 v3, $0x3  }
0x286: {  	v3 =	vand.u32 $0x7, v3;
	v4 =	vand.u32 $0xFFFFFFC0, v57  }
0x287: {  	v3 =	vor.u32 v3, v4  }
0x288: {  	v4 =	vperm.xlane v3, v0;
	_ =	sdelay $0x1  }
0x289: {  	v4 =	vadd.s32 v1, v4;
	_ =	sdelay $0x3  }
0x28a: {  	s12 =	simm.s32 $0x4200  }
0x28b: {  	[tilespmem:s12], [sflag:$0x1] =	stream.indirect_vreg.gather [hbm4b:s1+s3], $0x80, v4, vm0, $0xb8;
	[tilespmem:$0x18200] =	vst v63  }
0x28c: {  	s16 =	simm.s32 $0x4A00;
	v3 =	vperm.xlane v3, v2  }
0x28d: {  	[tilespmem:s16], [sflag:$0x1] =	stream.indirect_vreg.gather [hbm4b:s5+s3], $0x80, v4, vm0, $0xb8;
	[tilespmem:$0x18200] =	vst v63  }
0x28e: {  	s14 =	simm.s32 $0x5200;
	v3 =	vadd.s32 v1, v3  }
0x28f: {  	[tilespmem:s14], [sflag:$0x1] =	stream.indirect_vreg.gather [hbm4b:s6+s3], $0x80, v4, vm0, $0xb8;
	[tilespmem:$0x18200] =	vst v63  }
0x290: {  	s25 =	simm.s32 $0x5A00  }
0x291: {  	[tilespmem:s25], [sflag:$0x1] =	stream.indirect_vreg.gather [hbm4b:s7+s3], $0x80, v4, vm0, $0xb8;
	[tilespmem:$0x18200] =	vst v63  }
0x292: {  	s19 =	simm.s32 $0x6200  }
0x293: {  	[tilespmem:s19], [sflag:$0x1] =	stream.indirect_vreg.gather [hbm4b:s1+s3], $0x80, v3, vm0, $0xb8;
	[tilespmem:$0x18200] =	vst v63  }
0x294: {  	s20 =	simm.s32 $0x6A00  }
0x295: {  	[tilespmem:s20], [sflag:$0x1] =	stream.indirect_vreg.gather [hbm4b:s5+s3], $0x80, v3, vm0, $0xb8;
	[tilespmem:$0x18200] =	vst v63  }
0x296: {  	s21 =	simm.s32 $0x7200  }
0x297: {  	[tilespmem:s21], [sflag:$0x1] =	stream.indirect_vreg.gather [hbm4b:s6+s3], $0x80, v3, vm0, $0xb8;
	[tilespmem:$0x18200] =	vst v63  }
0x298: {  	s26 =	simm.s32 $0x7A00  }
0x299: {  	[tilespmem:s26], [sflag:$0x1] =	stream.indirect_vreg.gather [hbm4b:s7+s3], $0x80, v3, vm0, $0xb8;
	[tilespmem:$0x18200] =	vst v63  }
0x29a: {  	_ =	swait.ge [sflag:s28], $0x8000  }
0x29b: {  	[sflag:s28] =	ssyncset.done $0x0  }
0x29c: {  	s26 =	rddreg [dreg:$0xf];
	[sflag:s28] =	ssyncadd.s32 $0xFFFF8000  }
0x29d: {  	[hbm4b:s26+s3] =	stream.linear.scatter [tilespmem:s29], [sflag:$0x5], $0x8000, $0x38;
	[tilespmem:$0x18200] =	vst v63  }
0x29e: {  	_ =	swait.ge [sflag:s30], $0x8000  }
0x29f: {  	[sflag:s30] =	ssyncset.done $0x0  }
0x2a0: {  	[sflag:s30] =	ssyncadd.s32 $0xFFFF8000  }
0x2a1: {  	v3 =	vld [tilespmem:$0x1A0];
	_ =	sdelay $0x4  }
0x2a2: {  	v58 =	vshll.u32 v3, $0x3  }
0x2a3: {  	v3 =	vand.u32 $0x7, v3;
	v4 =	vand.u32 $0xFFFFFFC0, v58  }
0x2a4: {  	v3 =	vor.u32 v3, v4  }
0x2a5: {  	v4 =	vperm.xlane v3, v0;
	_ =	sdelay $0x1  }
0x2a6: {  	v4 =	vadd.s32 v1, v4;
	_ =	sdelay $0x4  }
0x2a7: {  	[tilespmem:s29], [sflag:$0x2] =	stream.indirect_vreg.gather [hbm4b:s1+s3], $0x80, v4, vm0, $0xb8;
	[tilespmem:$0x18200] =	vst v63  }
0x2a8: {  	s25 =	simm.s32 $0x8A00;
	v3 =	vperm.xlane v3, v2  }
0x2a9: {  	[tilespmem:s25], [sflag:$0x2] =	stream.indirect_vreg.gather [hbm4b:s5+s3], $0x80, v4, vm0, $0xb8;
	[tilespmem:$0x18200] =	vst v63  }
0x2aa: {  	s26 =	simm.s32 $0x9200;
	v3 =	vadd.s32 v1, v3  }
0x2ab: {  	[tilespmem:s26], [sflag:$0x2] =	stream.indirect_vreg.gather [hbm4b:s6+s3], $0x80, v4, vm0, $0xb8;
	[tilespmem:$0x18200] =	vst v63  }
0x2ac: {  	s25 =	simm.s32 $0x9A00  }
0x2ad: {  	[tilespmem:s25], [sflag:$0x2] =	stream.indirect_vreg.gather [hbm4b:s7+s3], $0x80, v4, vm0, $0xb8;
	[tilespmem:$0x18200] =	vst v63  }
0x2ae: {  	s26 =	simm.s32 $0xA200  }
0x2af: {  	[tilespmem:s26], [sflag:$0x2] =	stream.indirect_vreg.gather [hbm4b:s1+s3], $0x80, v3, vm0, $0xb8;
	[tilespmem:$0x18200] =	vst v63  }
0x2b0: {  	s25 =	simm.s32 $0xAA00  }
0x2b1: {  	[tilespmem:s25], [sflag:$0x2] =	stream.indirect_vreg.gather [hbm4b:s5+s3], $0x80, v3, vm0, $0xb8;
	[tilespmem:$0x18200] =	vst v63  }
0x2b2: {  	s26 =	simm.s32 $0xB200  }
0x2b3: {  	[tilespmem:s26], [sflag:$0x2] =	stream.indirect_vreg.gather [hbm4b:s6+s3], $0x80, v3, vm0, $0xb8;
	[tilespmem:$0x18200] =	vst v63  }
0x2b4: {  	s25 =	simm.s32 $0xBA00  }
0x2b5: {  	[tilespmem:s25], [sflag:$0x2] =	stream.indirect_vreg.gather [hbm4b:s7+s3], $0x80, v3, vm0, $0xb8;
	[tilespmem:$0x18200] =	vst v63  }
0x2b6: {  	v3 =	vld [tilespmem:$0x1B0];
	_ =	sdelay $0x4  }
0x2b7: {  	v59 =	vshll.u32 v3, $0x3  }
0x2b8: {  	v3 =	vand.u32 $0x7, v3;
	v4 =	vand.u32 $0xFFFFFFC0, v59  }
0x2b9: {  	v3 =	vor.u32 v3, v4  }
0x2ba: {  	v4 =	vperm.xlane v3, v0;
	_ =	sdelay $0x1  }
0x2bb: {  	v4 =	vadd.s32 v1, v4;
	_ =	sdelay $0x3  }
0x2bc: {  	s26 =	simm.s32 $0xC200  }
0x2bd: {  	[tilespmem:s26], [sflag:$0x2] =	stream.indirect_vreg.gather [hbm4b:s1+s3], $0x80, v4, vm0, $0xb8;
	[tilespmem:$0x18200] =	vst v63  }
0x2be: {  	s25 =	simm.s32 $0xCA00;
	v3 =	vperm.xlane v3, v2  }
0x2bf: {  	[tilespmem:s25], [sflag:$0x2] =	stream.indirect_vreg.gather [hbm4b:s5+s3], $0x80, v4, vm0, $0xb8;
	[tilespmem:$0x18200] =	vst v63  }
0x2c0: {  	v3 =	vadd.s32 v1, v3;
	s26 =	simm.s32 $0xD200  }
0x2c1: {  	[tilespmem:s26], [sflag:$0x2] =	stream.indirect_vreg.gather [hbm4b:s6+s3], $0x80, v4, vm0, $0xb8;
	[tilespmem:$0x18200] =	vst v63  }
0x2c2: {  	s25 =	simm.s32 $0xDA00  }
0x2c3: {  	[tilespmem:s25], [sflag:$0x2] =	stream.indirect_vreg.gather [hbm4b:s7+s3], $0x80, v4, vm0, $0xb8;
	[tilespmem:$0x18200] =	vst v63  }
0x2c4: {  	s26 =	simm.s32 $0xE200  }
0x2c5: {  	[tilespmem:s26], [sflag:$0x2] =	stream.indirect_vreg.gather [hbm4b:s1+s3], $0x80, v3, vm0, $0xb8;
	[tilespmem:$0x18200] =	vst v63  }
0x2c6: {  	s25 =	simm.s32 $0xEA00  }
0x2c7: {  	[tilespmem:s25], [sflag:$0x2] =	stream.indirect_vreg.gather [hbm4b:s5+s3], $0x80, v3, vm0, $0xb8;
	[tilespmem:$0x18200] =	vst v63  }
0x2c8: {  	s26 =	simm.s32 $0xF200  }
0x2c9: {  	[tilespmem:s26], [sflag:$0x2] =	stream.indirect_vreg.gather [hbm4b:s6+s3], $0x80, v3, vm0, $0xb8;
	[tilespmem:$0x18200] =	vst v63  }
0x2ca: {  	s25 =	simm.s32 $0xFA00  }
0x2cb: {  	[tilespmem:s25], [sflag:$0x2] =	stream.indirect_vreg.gather [hbm4b:s7+s3], $0x80, v3, vm0, $0xb8;
	[tilespmem:$0x18200] =	vst v63  }
0x2cc: {  	_ =	swait.ge [sflag:s31], $0x8000  }
0x2cd: {  	[sflag:s31] =	ssyncset.done $0x0  }
0x2ce: {  	s26 =	rddreg [dreg:$0x10];
	[sflag:s31] =	ssyncadd.s32 $0xFFFF8000  }
0x2cf: {  	[hbm4b:s26+s3] =	stream.linear.scatter [tilespmem:s10], [sflag:$0x6], $0x8000, $0x38;
	[tilespmem:$0x18200] =	vst v63  }
0x2d0: {  	_ =	swait.ge [sflag:s2], $0x8000  }
0x2d1: {  	[sflag:s2] =	ssyncset.done $0x0  }
0x2d2: {  	[sflag:s2] =	ssyncadd.s32 $0xFFFF8000  }
0x2d3: {  	v3 =	vld [tilespmem:$0x1C0];
	_ =	sdelay $0x4  }
0x2d4: {  	v60 =	vshll.u32 v3, $0x3  }
0x2d5: {  	v3 =	vand.u32 $0x7, v3;
	v4 =	vand.u32 $0xFFFFFFC0, v60  }
0x2d6: {  	v3 =	vor.u32 v3, v4  }
0x2d7: {  	v4 =	vperm.xlane v3, v0;
	_ =	sdelay $0x1  }
0x2d8: {  	v4 =	vadd.s32 v1, v4;
	_ =	sdelay $0x4  }
0x2d9: {  	[tilespmem:s10], [sflag:$0x3] =	stream.indirect_vreg.gather [hbm4b:s1+s3], $0x80, v4, vm0, $0xb8;
	[tilespmem:$0x18200] =	vst v63  }
0x2da: {  	s25 =	simm.s32 $0x10A00;
	v3 =	vperm.xlane v3, v2  }
0x2db: {  	[tilespmem:s25], [sflag:$0x3] =	stream.indirect_vreg.gather [hbm4b:s5+s3], $0x80, v4, vm0, $0xb8;
	[tilespmem:$0x18200] =	vst v63  }
0x2dc: {  	s26 =	simm.s32 $0x11200;
	v3 =	vadd.s32 v1, v3  }
0x2dd: {  	[tilespmem:s26], [sflag:$0x3] =	stream.indirect_vreg.gather [hbm4b:s6+s3], $0x80, v4, vm0, $0xb8;
	[tilespmem:$0x18200] =	vst v63  }
0x2de: {  	s25 =	simm.s32 $0x11A00  }
0x2df: {  	[tilespmem:s25], [sflag:$0x3] =	stream.indirect_vreg.gather [hbm4b:s7+s3], $0x80, v4, vm0, $0xb8;
	[tilespmem:$0x18200] =	vst v63  }
0x2e0: {  	s26 =	simm.s32 $0x12200  }
0x2e1: {  	[tilespmem:s26], [sflag:$0x3] =	stream.indirect_vreg.gather [hbm4b:s1+s3], $0x80, v3, vm0, $0xb8;
	[tilespmem:$0x18200] =	vst v63  }
0x2e2: {  	s25 =	simm.s32 $0x12A00  }
0x2e3: {  	[tilespmem:s25], [sflag:$0x3] =	stream.indirect_vreg.gather [hbm4b:s5+s3], $0x80, v3, vm0, $0xb8;
	[tilespmem:$0x18200] =	vst v63  }
0x2e4: {  	s26 =	simm.s32 $0x13200  }
0x2e5: {  	[tilespmem:s26], [sflag:$0x3] =	stream.indirect_vreg.gather [hbm4b:s6+s3], $0x80, v3, vm0, $0xb8;
	[tilespmem:$0x18200] =	vst v63  }
0x2e6: {  	s25 =	simm.s32 $0x13A00  }
0x2e7: {  	[tilespmem:s25], [sflag:$0x3] =	stream.indirect_vreg.gather [hbm4b:s7+s3], $0x80, v3, vm0, $0xb8;
	[tilespmem:$0x18200] =	vst v63  }
0x2e8: {  	v3 =	vld [tilespmem:$0x1D0];
	_ =	sdelay $0x4  }
0x2e9: {  	v61 =	vshll.u32 v3, $0x3  }
0x2ea: {  	v3 =	vand.u32 $0x7, v3;
	v4 =	vand.u32 $0xFFFFFFC0, v61  }
0x2eb: {  	v3 =	vor.u32 v3, v4  }
0x2ec: {  	v4 =	vperm.xlane v3, v0;
	_ =	sdelay $0x1  }
0x2ed: {  	v4 =	vadd.s32 v1, v4;
	_ =	sdelay $0x3  }
0x2ee: {  	s26 =	simm.s32 $0x14200  }
0x2ef: {  	[tilespmem:s26], [sflag:$0x3] =	stream.indirect_vreg.gather [hbm4b:s1+s3], $0x80, v4, vm0, $0xb8;
	[tilespmem:$0x18200] =	vst v63  }
0x2f0: {  	s25 =	simm.s32 $0x14A00;
	v3 =	vperm.xlane v3, v2  }
0x2f1: {  	[tilespmem:s25], [sflag:$0x3] =	stream.indirect_vreg.gather [hbm4b:s5+s3], $0x80, v4, vm0, $0xb8;
	[tilespmem:$0x18200] =	vst v63  }
0x2f2: {  	v3 =	vadd.s32 v1, v3;
	s26 =	simm.s32 $0x15200  }
0x2f3: {  	[tilespmem:s26], [sflag:$0x3] =	stream.indirect_vreg.gather [hbm4b:s6+s3], $0x80, v4, vm0, $0xb8;
	[tilespmem:$0x18200] =	vst v63  }
0x2f4: {  	s25 =	simm.s32 $0x15A00  }
0x2f5: {  	[tilespmem:s25], [sflag:$0x3] =	stream.indirect_vreg.gather [hbm4b:s7+s3], $0x80, v4, vm0, $0xb8;
	[tilespmem:$0x18200] =	vst v63  }
0x2f6: {  	s26 =	simm.s32 $0x16200  }
0x2f7: {  	[tilespmem:s26], [sflag:$0x3] =	stream.indirect_vreg.gather [hbm4b:s1+s3], $0x80, v3, vm0, $0xb8;
	[tilespmem:$0x18200] =	vst v63  }
0x2f8: {  	s25 =	simm.s32 $0x16A00  }
0x2f9: {  	[tilespmem:s25], [sflag:$0x3] =	stream.indirect_vreg.gather [hbm4b:s5+s3], $0x80, v3, vm0, $0xb8;
	[tilespmem:$0x18200] =	vst v63  }
0x2fa: {  	s26 =	simm.s32 $0x17200  }
0x2fb: {  	[tilespmem:s26], [sflag:$0x3] =	stream.indirect_vreg.gather [hbm4b:s6+s3], $0x80, v3, vm0, $0xb8;
	[tilespmem:$0x18200] =	vst v63  }
0x2fc: {  	s25 =	simm.s32 $0x17A00  }
0x2fd: {  	[tilespmem:s25], [sflag:$0x3] =	stream.indirect_vreg.gather [hbm4b:s7+s3], $0x80, v3, vm0, $0xb8;
	[tilespmem:$0x18200] =	vst v63  }
0x2fe: {  	_ =	swait.ge [sflag:s0], $0x8000  }
0x2ff: {  	[sflag:s0] =	ssyncset.done $0x0  }
0x300: {  	s26 =	rddreg [dreg:$0x11];
	[sflag:s0] =	ssyncadd.s32 $0xFFFF8000  }
0x301: {  	[hbm4b:s26+s3] =	stream.linear.scatter [tilespmem:s23], [sflag:$0x4], $0x8000, $0x38;
	[tilespmem:$0x18200] =	vst v63  }
0x302: {  	_ =	swait.ge [sflag:s4], $0x8000  }
0x303: {  	[sflag:s4] =	ssyncset.done $0x0  }
0x304: {  	[sflag:s4] =	ssyncadd.s32 $0xFFFF8000  }
0x305: {  	v3 =	vld [tilespmem:$0x1E0];
	_ =	sdelay $0x4  }
0x306: {  	v62 =	vshll.u32 v3, $0x3  }
0x307: {  	v3 =	vand.u32 $0x7, v3;
	v4 =	vand.u32 $0xFFFFFFC0, v62  }
0x308: {  	v3 =	vor.u32 v3, v4  }
0x309: {  	v4 =	vperm.xlane v3, v0;
	_ =	sdelay $0x1  }
0x30a: {  	v4 =	vadd.s32 v1, v4;
	_ =	sdelay $0x4  }
0x30b: {  	[tilespmem:s23], [sflag:$0x1] =	stream.indirect_vreg.gather [hbm4b:s1+s3], $0x80, v4, vm0, $0xb8;
	[tilespmem:$0x18200] =	vst v63  }
0x30c: {  	s13 =	simm.s32 $0xA00;
	v3 =	vperm.xlane v3, v2  }
0x30d: {  	[tilespmem:s13], [sflag:$0x1] =	stream.indirect_vreg.gather [hbm4b:s5+s3], $0x80, v4, vm0, $0xb8;
	[tilespmem:$0x18200] =	vst v63  }
0x30e: {  	s22 =	simm.s32 $0x1200;
	v3 =	vadd.s32 v1, v3  }
0x30f: {  	[tilespmem:s22], [sflag:$0x1] =	stream.indirect_vreg.gather [hbm4b:s6+s3], $0x80, v4, vm0, $0xb8;
	[tilespmem:$0x18200] =	vst v63  }
0x310: {  	s11 =	simm.s32 $0x1A00  }
0x311: {  	[tilespmem:s11], [sflag:$0x1] =	stream.indirect_vreg.gather [hbm4b:s7+s3], $0x80, v4, vm0, $0xb8;
	[tilespmem:$0x18200] =	vst v63  }
0x312: {  	s15 =	simm.s32 $0x2200  }
0x313: {  	[tilespmem:s15], [sflag:$0x1] =	stream.indirect_vreg.gather [hbm4b:s1+s3], $0x80, v3, vm0, $0xb8;
	[tilespmem:$0x18200] =	vst v63  }
0x314: {  	s17 =	simm.s32 $0x2A00  }
0x315: {  	[tilespmem:s17], [sflag:$0x1] =	stream.indirect_vreg.gather [hbm4b:s5+s3], $0x80, v3, vm0, $0xb8;
	[tilespmem:$0x18200] =	vst v63  }
0x316: {  	s18 =	simm.s32 $0x3200  }
0x317: {  	[tilespmem:s18], [sflag:$0x1] =	stream.indirect_vreg.gather [hbm4b:s6+s3], $0x80, v3, vm0, $0xb8;
	[tilespmem:$0x18200] =	vst v63  }
0x318: {  	s24 =	simm.s32 $0x3A00  }
0x319: {  	[tilespmem:s24], [sflag:$0x1] =	stream.indirect_vreg.gather [hbm4b:s7+s3], $0x80, v3, vm0, $0xb8;
	[tilespmem:$0x18200] =	vst v63  }
0x31a: {  	v3 =	vld [tilespmem:$0x1F0];
	_ =	sdelay $0x4  }
0x31b: {  	v63 =	vshll.u32 v3, $0x3  }
0x31c: {  	v3 =	vand.u32 $0x7, v3;
	v4 =	vand.u32 $0xFFFFFFC0, v63  }
0x31d: {  	v3 =	vor.u32 v3, v4  }
0x31e: {  	v4 =	vperm.xlane v3, v0;
	_ =	sdelay $0x1  }
0x31f: {  	v4 =	vadd.s32 v1, v4;
	_ =	sdelay $0x3  }
0x320: {  	s18 =	simm.s32 $0x4200  }
0x321: {  	[tilespmem:s18], [sflag:$0x1] =	stream.indirect_vreg.gather [hbm4b:s1+s3], $0x80, v4, vm0, $0xb8;
	[tilespmem:$0x18200] =	vst v63  }
0x322: {  	s22 =	simm.s32 $0x4A00;
	v3 =	vperm.xlane v3, v2  }
0x323: {  	[tilespmem:s22], [sflag:$0x1] =	stream.indirect_vreg.gather [hbm4b:s5+s3], $0x80, v4, vm0, $0xb8;
	[tilespmem:$0x18200] =	vst v63  }
0x324: {  	s12 =	simm.s32 $0x5200;
	v3 =	vadd.s32 v1, v3  }
0x325: {  	[tilespmem:s12], [sflag:$0x1] =	stream.indirect_vreg.gather [hbm4b:s6+s3], $0x80, v4, vm0, $0xb8;
	[tilespmem:$0x18200] =	vst v63  }
0x326: {  	s14 =	simm.s32 $0x5A00  }
0x327: {  	[tilespmem:s14], [sflag:$0x1] =	stream.indirect_vreg.gather [hbm4b:s7+s3], $0x80, v4, vm0, $0xb8;
	[tilespmem:$0x18200] =	vst v63  }
0x328: {  	s16 =	simm.s32 $0x6200  }
0x329: {  	[tilespmem:s16], [sflag:$0x1] =	stream.indirect_vreg.gather [hbm4b:s1+s3], $0x80, v3, vm0, $0xb8;
	[tilespmem:$0x18200] =	vst v63  }
0x32a: {  	s19 =	simm.s32 $0x6A00  }
0x32b: {  	[tilespmem:s19], [sflag:$0x1] =	stream.indirect_vreg.gather [hbm4b:s5+s3], $0x80, v3, vm0, $0xb8;
	[tilespmem:$0x18200] =	vst v63  }
0x32c: {  	s20 =	simm.s32 $0x7200  }
0x32d: {  	[tilespmem:s20], [sflag:$0x1] =	stream.indirect_vreg.gather [hbm4b:s6+s3], $0x80, v3, vm0, $0xb8;
	[tilespmem:$0x18200] =	vst v63  }
0x32e: {  	s21 =	simm.s32 $0x7A00  }
0x32f: {  	[tilespmem:s21], [sflag:$0x1] =	stream.indirect_vreg.gather [hbm4b:s7+s3], $0x80, v3, vm0, $0xb8;
	[tilespmem:$0x18200] =	vst v63  }
0x330: {  	_ =	swait.ge [sflag:s28], $0x8000  }
0x331: {  	[sflag:s28] =	ssyncset.done $0x0  }
0x332: {  	s24 =	rddreg [dreg:$0x12];
	[sflag:s28] =	ssyncadd.s32 $0xFFFF8000  }
0x333: {  	[hbm4b:s24+s3] =	stream.linear.scatter [tilespmem:s29], [sflag:$0x5], $0x8000, $0x38;
	[tilespmem:$0x18200] =	vst v63  }
0x334: {  	_ =	swait.ge [sflag:s31], $0x8000  }
0x335: {  	[sflag:s31] =	ssyncset.done $0x0  }
0x336: {  	s25 =	rddreg [dreg:$0x13];
	[sflag:s31] =	ssyncadd.s32 $0xFFFF8000  }
0x337: {  	[hbm4b:s25+s3] =	stream.linear.scatter [tilespmem:s10], [sflag:$0x6], $0x8000, $0x38;
	[tilespmem:$0x18200] =	vst v63  }
0x338: {  	_ =	swait.ge [sflag:s0], $0x8000  }
0x339: {  	[sflag:s0] =	ssyncset.done $0x0  }
0x33a: {  	s26 =	rddreg [dreg:$0x14];
	[sflag:s0] =	ssyncadd.s32 $0xFFFF8000  }
0x33b: {  	[hbm4b:s26+s3] =	stream.linear.scatter [tilespmem:s23], [sflag:$0x4], $0x8000, $0x38;
	[tilespmem:$0x18200] =	vst v63  }
0x33c: {  	_ =	swait.ge [sflag:s4], $0x8000  }
0x33d: {  	[sflag:s4] =	ssyncset.done $0x0  }
0x33e: {  	[sflag:s4] =	ssyncadd.s32 $0xFFFF8000  }
0x33f: {  	p0 =	sne.s32 s8, $0x1;
	_ =	swait.ge [sflag:s30], $0x8000  }
.Ltmp0:
0x340: {  	[sflag:s30] =	ssyncset.done $0x0;
	(pc) =	sbr.rel @p0 .LBB2_1-.Ltmp0, $4  }
0x341: {  	[sflag:s30] =	ssyncadd.s32 $0xFFFF8000  }
0x342: {  	_ =	swait.ge [sflag:s2], $0x8000  }
0x343: {  	[sflag:s2] =	ssyncset.done $0x0  }
0x344: {  	s8 =	sadd.s32 $0xFFFFFFFF, s8;
	[sflag:s2] =	ssyncadd.s32 $0xFFFF8000  }
0x345: {  	_ =	sfence.sel $0x180000  }
0x346: {  	[bflag:$0x0] =	sbarrier.arrive $0xFFFF  }
0x347: {  	_ =	strace $0x90000047  }
0x348: {  	s0 =	stileid.u32;
	[bflag:$0x2] =	sbarrier.arrive $0xFFFF  }
0x349: {  	p0 =	sne.s32 s0, $0x0;
	s0 =	rddreg [dreg:$0x3]  }
0x34a: {  	s0 =	sadd.s32 @!p0 $0x100000, s0  }
0x34b: {  	[sflag:s0] =	ssyncadd.tile.s32 @!p0 $0x1;
	_ =	shalt  }
.Lfunc_end2:
_tile_overlayer_lowered:
.L_overlay_start_2:
0x34c: {  	(tag) =	ssettag $0x2  }
0x34d: {  	s0 =	rddreg [dreg:$0x0];
	s2 =	stileid.u32  }
0x34e: {  	s1 =	rddreg [dreg:$0x1];
	p0 =	sne.s32 s2, $0x0  }
0x34f: {  	s3 =	rddreg [dreg:$0x2];
	[bflag:$0x3] =	sbarrier.arrive $0xFFFF;
	s2 =	simm.s32 @!p0 $0x1C07  }
0x350: {  	[timem:s3], [sflag:s2] =	dma.local @!p0 [hbm:s0], s1  }
0x351: {  	s0 =	simm.s32 @!p0 $0x7  }
0x352: {  	_ =	swait.ge @!p0 [sflag:s0], s1  }
0x353: {  	s1 =	ssub.s32 @!p0 $0x0, s1;
	[sflag:s0] =	ssyncset.done @!p0 $0x0  }
0x354: {  	[sflag:s0] =	ssyncadd.s32 @!p0 s1  }
0x355: {  	[bflag:$0x3] =	sbarrier.arrive $0xFFFF  }
0x356: {  	_ =	shalt  }

</sc_bundles>
